<compile_context>
chip_gen: v7x
topology: tpu7x:2x2x1
jax: 0.10.2.dev20260603
libtpu: 0.0.44.dev20260713+nightly
codegen_flags: <defaults>
</compile_context>

<pallas_src>
import functools

import jax
import jax.numpy as jnp
from jax import lax
from jax.experimental import pallas as pl
from jax.experimental.pallas import tpu as pltpu
from jax.experimental.pallas import tpu_sc as plsc

N = 4096
D = 768
E = 8
K = 2
U = 16
H = 4 * D

BG = 128
G = (K * N + E * BG) // BG
P = G * BG

NW = 32
PCH = (K * N) // NW
TCH = N // NW
CCH = 32
DW = D // 2


def _gelu_exact(t):
    return 0.5 * t * (1.0 + lax.erf(t * 0.7071067811865476))


def _uncertainty_body(x_ref, wu1_ref, bu1_ref, wu2_ref, bu2_ref, un_ref):
    x = x_ref[...]
    h = lax.dot_general(x, wu1_ref[...], (((1,), (1,)), ((), ())),
                        preferred_element_type=jnp.float32)
    h = _gelu_exact(h + bu1_ref[...])
    u = jnp.sum(h * wu2_ref[...], axis=-1, keepdims=True)
    u = u + bu2_ref[0, 0]
    u = jnp.maximum(u, 0.0) + jnp.log1p(jnp.exp(-jnp.abs(u)))
    un_ref[...] = u / (jnp.mean(u) + 1e-8)


def _router_body(logits_ref, pos_ref, wsl_ref, bexp_ref, aux_ref):
    logits = logits_ref[...]
    m = jnp.max(logits, axis=-1, keepdims=True)
    ex = jnp.exp(logits - m)
    se = jnp.sum(ex, axis=-1, keepdims=True)
    p = ex / se
    iota = lax.broadcasted_iota(jnp.int32, (N, E), 1)
    m1 = jnp.max(p, axis=-1, keepdims=True)
    i1 = jnp.min(jnp.where(p == m1, iota, E), axis=-1, keepdims=True)
    p2 = jnp.where(iota == i1, -jnp.inf, p)
    m2 = jnp.max(p2, axis=-1, keepdims=True)
    i2 = jnp.min(jnp.where(p2 == m2, iota, E), axis=-1, keepdims=True)
    s = m1 + m2
    sel1 = (iota == i1).astype(jnp.float32)
    sel2 = (iota == i2).astype(jnp.float32)
    usage = jnp.mean(p, axis=0, keepdims=True)
    selection = jnp.mean(sel1 + sel2, axis=0, keepdims=True) / K
    lb = E * jnp.sum(usage * selection)
    lz = m + jnp.log(se)
    z = jnp.mean(lz * lz)
    aux_ref[0, 0] = 0.01 * lb + 0.01 * z
    sel = sel1 + sel2
    csum = sel
    k = 1
    while k < N:
        csum = csum + jnp.concatenate(
            [jnp.zeros((k, E), jnp.float32), csum[:N - k, :]], axis=0)
        k *= 2
    rank = (csum - sel).astype(jnp.int32)
    counts = csum[N - 1:N, :].astype(jnp.int32)
    cp = ((counts + (BG - 1)) // BG) * BG
    seg_end = cp
    for k in (1, 2, 4):
        seg_end = seg_end + jnp.concatenate(
            [jnp.zeros((1, k), jnp.int32), seg_end[:, :E - k]], axis=1)
    start = seg_end - cp
    r1 = jnp.sum(jnp.where(iota == i1, rank, 0), axis=-1, keepdims=True)
    r2 = jnp.sum(jnp.where(iota == i2, rank, 0), axis=-1, keepdims=True)
    st1 = jnp.sum(jnp.where(iota == i1, start, 0), axis=-1, keepdims=True)
    st2 = jnp.sum(jnp.where(iota == i2, start, 0), axis=-1, keepdims=True)
    pos_ref[0:N, :] = st1 + r1
    pos_ref[N:2 * N, :] = st2 + r2
    wsl_ref[0:N, :] = m1 / s
    wsl_ref[N:2 * N, :] = m2 / s
    bstart = lax.broadcasted_iota(jnp.int32, (G, E), 0) * BG
    bexp = jnp.sum((bstart >= seg_end).astype(jnp.int32), axis=-1,
                   keepdims=True)
    bexp_ref[...] = jnp.minimum(bexp, E - 1)


DCH = PCH // 2


def _dispatch_body(pos_hbm, x_hbm, xg_hbm, posv, buf0, buf1, sem0, sem1):
    wid = lax.axis_index("s") * 2 + lax.axis_index("c")
    tbase = lax.rem(wid * PCH, N)
    pltpu.sync_copy(pos_hbm.at[wid], posv)
    pltpu.sync_copy(x_hbm.at[pl.ds(tbase, DCH)], buf0)
    cp0 = pltpu.async_copy(buf0, xg_hbm.at[posv.at[0]], sem0)
    pltpu.sync_copy(x_hbm.at[pl.ds(tbase + DCH, DCH)], buf1)
    cp1 = pltpu.async_copy(buf1, xg_hbm.at[posv.at[1]], sem1)
    cp0.wait()
    cp1.wait()


def _ffn_body(be_ref, xg_ref, w1_ref, b1_ref, w2_ref, b2_ref, ys_ref):
    h = lax.dot_general(xg_ref[...], w1_ref[0], (((1,), (1,)), ((), ())),
                        preferred_element_type=jnp.float32)
    h = _gelu_exact(h + b1_ref[0])
    o = lax.dot_general(h.astype(jnp.bfloat16), w2_ref[0],
                        (((1,), (1,)), ((), ())),
                        preferred_element_type=jnp.float32)
    ys_ref[...] = o + b2_ref[0]


def _combine_gather_body(posc_hbm, ys_hbm, y1_hbm, y2_hbm, idxv,
                         bufs, sem):
    wid = lax.axis_index("s") * 2 + lax.axis_index("c")
    tbase = wid * TCH
    pltpu.sync_copy(posc_hbm.at[wid], idxv)
    nch = TCH // CCH
    copies = [None] * nch

    def drain(c):
        copies[c][0].wait()
        copies[c][1].wait()
        b = 2 * (c % 2)
        pltpu.sync_copy(bufs.at[b], y1_hbm.at[pl.ds(tbase + c * CCH, CCH)])
        pltpu.sync_copy(bufs.at[b + 1],
                        y2_hbm.at[pl.ds(tbase + c * CCH, CCH)])

    for c in range(nch):
        if c >= 2:
            drain(c - 2)
        b = 2 * (c % 2)
        copies[c] = (
            pltpu.async_copy(
                ys_hbm.at[idxv.at[0, pl.ds(c * CCH, CCH)]], bufs.at[b],
                sem),
            pltpu.async_copy(
                ys_hbm.at[idxv.at[1, pl.ds(c * CCH, CCH)]], bufs.at[b + 1],
                sem))
    for c in range(max(nch - 2, 0), nch):
        drain(c)


def _combine_add_body(y1_ref, y2_ref, w1_ref, w2_ref, out_ref):
    out_ref[...] = (y1_ref[...] * w1_ref[...]
                    + y2_ref[...] * w2_ref[...])


def _run_router(x, W_u1, b_u1, W_u2, b_u2, W_router):
    un = pl.pallas_call(
        _uncertainty_body,
        out_shape=jax.ShapeDtypeStruct((N, 1), jnp.float32),
        in_specs=[
            pl.BlockSpec((N, D), lambda: (0, 0)),
            pl.BlockSpec((U, D), lambda: (0, 0)),
            pl.BlockSpec((1, U), lambda: (0, 0)),
            pl.BlockSpec((1, U), lambda: (0, 0)),
            pl.BlockSpec(memory_space=pltpu.SMEM),
        ],
        out_specs=pl.BlockSpec((N, 1), lambda: (0, 0)),
    )(x, W_u1, b_u1.reshape(1, U), W_u2, b_u2.reshape(1, 1))
    logits = jnp.concatenate([x, un], axis=-1) @ W_router.T
    return pl.pallas_call(
        _router_body,
        out_shape=(jax.ShapeDtypeStruct((K * N, 1), jnp.int32),
                   jax.ShapeDtypeStruct((K * N, 1), jnp.float32),
                   jax.ShapeDtypeStruct((G, 1), jnp.int32),
                   jax.ShapeDtypeStruct((1, 1), jnp.float32)),
        in_specs=[
            pl.BlockSpec((N, E), lambda: (0, 0)),
        ],
        out_specs=(pl.BlockSpec((K * N, 1), lambda: (0, 0)),
                   pl.BlockSpec((K * N, 1), lambda: (0, 0)),
                   pl.BlockSpec((G, 1), lambda: (0, 0)),
                   pl.BlockSpec(memory_space=pltpu.SMEM)),
    )(logits)


def _run_ffn(bexp_flat, xg_bf, We1b, be1r, We2b, be2r):
    return pl.pallas_call(
        _ffn_body,
        grid_spec=pltpu.PrefetchScalarGridSpec(
            num_scalar_prefetch=1,
            grid=(G,),
            in_specs=[
                pl.BlockSpec((BG, D), lambda g, be: (g, 0)),
                pl.BlockSpec((1, H, D), lambda g, be: (be[g], 0, 0)),
                pl.BlockSpec((1, 1, H), lambda g, be: (be[g], 0, 0)),
                pl.BlockSpec((1, D, H), lambda g, be: (be[g], 0, 0)),
                pl.BlockSpec((1, 1, D), lambda g, be: (be[g], 0, 0)),
            ],
            out_specs=pl.BlockSpec((BG, D), lambda g, be: (g, 0)),
        ),
        out_shape=jax.ShapeDtypeStruct((P, D), jnp.float32),
        compiler_params=pltpu.CompilerParams(
            dimension_semantics=("arbitrary",)),
    )(bexp_flat, xg_bf, We1b, be1r, We2b, be2r)


@jax.jit
def kernel(x, W_u1, b_u1, W_u2, b_u2, W_router, We1, be1, We2, be2):
    pos, wsl, bexp, aux = _run_router(x, W_u1, b_u1, W_u2, b_u2, W_router)

    x_i32 = lax.bitcast_convert_type(
        x.astype(jnp.bfloat16).reshape(N, DW, 2), jnp.int32)

    pf = pos.reshape(K * N)
    pos_d = pf.reshape(NW, 2, DCH)
    posc = jnp.stack([pf[:N].reshape(NW, TCH),
                      pf[N:].reshape(NW, TCH)], axis=1)

    mesh = plsc.VectorSubcoreMesh(core_axis_name="c", subcore_axis_name="s")
    xg = pl.kernel(
        _dispatch_body,
        out_type=jax.ShapeDtypeStruct((P, DW), jnp.int32),
        mesh=mesh,
        compiler_params=pltpu.CompilerParams(needs_layout_passes=False),
        scratch_types=[
            pltpu.VMEM((2, DCH), jnp.int32),
            pltpu.VMEM((DCH, DW), jnp.int32),
            pltpu.VMEM((DCH, DW), jnp.int32),
            pltpu.SemaphoreType.DMA,
            pltpu.SemaphoreType.DMA,
        ],
    )(pos_d, x_i32)

    xg_bf = lax.bitcast_convert_type(xg, jnp.bfloat16).reshape(P, D)
    We1b = We1.astype(jnp.bfloat16)
    We2b = We2.astype(jnp.bfloat16)
    be1r = be1.reshape(E, 1, H)
    be2r = be2.reshape(E, 1, D)

    ys = _run_ffn(bexp.reshape(G), xg_bf, We1b, be1r, We2b, be2r)

    y1_bf, y2_bf = pl.kernel(
        _combine_gather_body,
        out_type=(jax.ShapeDtypeStruct((N, D), jnp.float32),
                  jax.ShapeDtypeStruct((N, D), jnp.float32)),
        mesh=plsc.VectorSubcoreMesh(core_axis_name="c",
                                    subcore_axis_name="s"),
        compiler_params=pltpu.CompilerParams(needs_layout_passes=False),
        scratch_types=[
            pltpu.VMEM((2, TCH), jnp.int32),
            pltpu.VMEM((4, CCH, D), jnp.float32),
            pltpu.SemaphoreType.DMA,
        ],
    )(posc, ys)

    BA = 1024
    out = pl.pallas_call(
        _combine_add_body,
        grid=(N // BA,),
        in_specs=[
            pl.BlockSpec((BA, D), lambda g: (g, 0)),
            pl.BlockSpec((BA, D), lambda g: (g, 0)),
            pl.BlockSpec((BA, 1), lambda g: (g, 0)),
            pl.BlockSpec((BA, 1), lambda g: (g, 0)),
        ],
        out_specs=pl.BlockSpec((BA, D), lambda g: (g, 0)),
        out_shape=jax.ShapeDtypeStruct((N, D), jnp.float32),
    )(y1_bf, y2_bf, wsl[:N], wsl[N:])

    return out, aux.reshape(())

# --- scband reference (transcript-rebuilt; emitter-appended) ---
"""Pipeline reference for scband-ultra-lsntblock-87875030876718 (READ-ONLY COPY).

The authoritative reference and input builder live on the scoring server;
editing this copy changes nothing except your own understanding.
"""

import jax, jax.numpy as jnp
import numpy as np

N = 4096   # tokens (batch=2 * seq_len=2048)
D = 768    # d_model
E = 8      # num_experts
K = 2      # top_k
U = 16     # uncertainty_dim
H = 4 * D  # expert hidden = dim*4


def _gelu(t):
    return jax.nn.gelu(t, approximate=False)  # torch nn.GELU default (erf)


def setup_inputs(seed: int = 0) -> dict:
    key = jax.random.key(seed)
    ks = jax.random.split(key, 8)
    def w(k, shape, fan_in):
        return (jax.random.normal(k, shape, dtype=jnp.float32) / np.sqrt(fan_in)).astype(jnp.float32)
    x = jax.random.normal(ks[0], (N, D), dtype=jnp.float32)
    W_u1 = w(ks[1], (U, D), D)
    b_u1 = jnp.zeros((U,), jnp.float32)
    W_u2 = w(ks[2], (1, U), U)
    b_u2 = jnp.zeros((1,), jnp.float32)
    W_router = w(ks[3], (E, D + 1), D + 1)  # router input = [x, uncertainty_norm]
    We1 = w(ks[4], (E, H, D), D)
    be1 = jnp.zeros((E, H), jnp.float32)
    We2 = w(ks[5], (E, D, H), H)
    be2 = jnp.zeros((E, D), jnp.float32)
    return {"x": x, "W_u1": W_u1, "b_u1": b_u1, "W_u2": W_u2, "b_u2": b_u2,
            "W_router": W_router, "We1": We1, "be1": be1, "We2": We2, "be2": be2}


def reference(x, W_u1, b_u1, W_u2, b_u2, W_router, We1, be1, We2, be2):
    # HeteroscedasticMoERouter forward (eval mode, temperature=1.0, no jitter)
    h = _gelu(x @ W_u1.T + b_u1)
    uncertainty = jax.nn.softplus(h @ W_u2.T + b_u2)                # [N, 1]
    uncertainty_norm = uncertainty / (uncertainty.mean() + 1e-08)
    router_input = jnp.concatenate([x, uncertainty_norm], axis=-1)  # [N, D+1]
    router_logits = router_input @ W_router.T                       # [N, E]
    router_probs = jax.nn.softmax(router_logits, axis=-1)
    top_k_weights, top_k_indices = jax.lax.top_k(router_probs, K)
    top_k_weights = top_k_weights / top_k_weights.sum(axis=-1, keepdims=True)
    # combine weights per (token, expert); math-equivalent to sparse dispatch + index_add
    combine = (jax.nn.one_hot(top_k_indices, E, dtype=x.dtype) * top_k_weights[..., None]).sum(axis=1)  # [N, E]
    output = jnp.zeros_like(x)
    for e in range(E):
        h1 = _gelu(x @ We1[e].T + be1[e])
        expert_out = h1 @ We2[e].T + be2[e]
        output = output + combine[:, e:e + 1] * expert_out
    # aux losses (load balance + z-loss)
    expert_mask = jax.nn.one_hot(top_k_indices, E, dtype=x.dtype)   # [N, K, E]
    expert_usage = router_probs.mean(axis=0)
    expert_selection = expert_mask.sum(axis=1).mean(axis=0) / K
    load_balance_loss = E * (expert_usage * expert_selection).sum()
    log_z = jax.scipy.special.logsumexp(router_logits, axis=-1)
    z_loss = (log_z ** 2).mean()
    aux_loss = 0.01 * load_balance_loss + 0.01 * z_loss
    return output, aux_loss

if __name__ == "__main__":
    import jax
    _d = setup_inputs()
    print(jax.jit(kernel)(*tuple(_d.values())))

</pallas_src>

<mosaic_0001>
#map = affine_map<(d0, d1) -> (0, 0, 0)>
#map1 = affine_map<(d0, d1) -> (0, 0)>
module attributes {stable_mosaic.version = 14 : i64} {
  func.func @_combine_gather_body(%arg0: i32, %arg1: i32, %arg2: memref<32x2x128xi32, #tpu.memory_space<hbm>>, %arg3: memref<9216x768xf32, #tpu.memory_space<hbm>>, %arg4: memref<4096x768xf32, #tpu.memory_space<hbm>>, %arg5: memref<4096x768xf32, #tpu.memory_space<hbm>>, %arg6: memref<2x128xi32, #tpu.memory_space<vmem>>, %arg7: memref<4x32x768xf32, #tpu.memory_space<vmem>>, %arg8: memref<!tpu.dma_semaphore, #tpu.memory_space<semaphore_mem>>) attributes {dimension_semantics = [#tpu.dimension_semantics<core_parallel>, #tpu.dimension_semantics<subcore_parallel>], iteration_bounds = array<i64: 2, 16>, scalar_prefetch = 0 : i64, scratch_operands = 3 : i64, tpu.core_type = #tpu.core_type<sc_vector_subcore>, window_params = [{transform_indices = #map}, {transform_indices = #map1}, {transform_indices = #map1}, {transform_indices = #map1}]} {
    %mul3A = arith.constant 2 : i32
    %mul3A_0 = arith.muli %arg1, %mul3A : i32
    %add3A = arith.addi %mul3A_0, %arg0 : i32
    %mul3A_1 = arith.constant 128 : i32
    %mul3A_2 = arith.muli %add3A, %mul3A_1 : i32
    "tpu.region"() ({
      %run_scoped3A_216 = tpu.sem_alloc : memref<!tpu.dma_semaphore, #tpu.memory_space<semaphore_mem>>
      %dma_start3A_217 = arith.constant 0 : i32
      %dma_start3A_218 = arith.constant 0 : i32
      %dma_start3A_219 = tpu.memref_slice %arg2[%add3A, %dma_start3A_217, %dma_start3A_218] : memref<32x2x128xi32, #tpu.memory_space<hbm>> -> memref<1x2x128xi32, #tpu.memory_space<hbm>>
      %dma_start3A_220 = tpu.memref_squeeze %dma_start3A_219 : memref<1x2x128xi32, #tpu.memory_space<hbm>> -> memref<2x128xi32, #tpu.memory_space<hbm>>
      %dma_start3A_221 = arith.constant 0 : i32
      %dma_start3A_222 = arith.constant 0 : i32
      %dma_start3A_223 = tpu.memref_slice %arg2[%add3A, %dma_start3A_221, %dma_start3A_222] : memref<32x2x128xi32, #tpu.memory_space<hbm>> -> memref<1x2x128xi32, #tpu.memory_space<hbm>>
      %dma_start3A_224 = tpu.memref_squeeze %dma_start3A_223 : memref<1x2x128xi32, #tpu.memory_space<hbm>> -> memref<2x128xi32, #tpu.memory_space<hbm>>
      tpu.enqueue_dma source(%dma_start3A_224 : memref<2x128xi32, #tpu.memory_space<hbm>>) target(%arg6 : memref<2x128xi32, #tpu.memory_space<vmem>>) target_semaphore(%run_scoped3A_216 : memref<!tpu.dma_semaphore, #tpu.memory_space<semaphore_mem>>)
      %dma_wait3A_225 = arith.constant 0 : i32
      %dma_wait3A_226 = arith.constant 0 : i32
      %dma_wait3A_227 = tpu.memref_slice %arg2[%add3A, %dma_wait3A_225, %dma_wait3A_226] : memref<32x2x128xi32, #tpu.memory_space<hbm>> -> memref<1x2x128xi32, #tpu.memory_space<hbm>>
      %dma_wait3A_228 = tpu.memref_squeeze %dma_wait3A_227 : memref<1x2x128xi32, #tpu.memory_space<hbm>> -> memref<2x128xi32, #tpu.memory_space<hbm>>
      %dma_wait3A_229 = arith.constant 0 : i32
      %dma_wait3A_230 = arith.constant 0 : i32
      %dma_wait3A_231 = tpu.memref_slice %arg2[%add3A, %dma_wait3A_229, %dma_wait3A_230] : memref<32x2x128xi32, #tpu.memory_space<hbm>> -> memref<1x2x128xi32, #tpu.memory_space<hbm>>
      %dma_wait3A_232 = tpu.memref_squeeze %dma_wait3A_231 : memref<1x2x128xi32, #tpu.memory_space<hbm>> -> memref<2x128xi32, #tpu.memory_space<hbm>>
      tpu.wait_dma2 semaphore(%run_scoped3A_216 : memref<!tpu.dma_semaphore, #tpu.memory_space<semaphore_mem>>) src(%dma_wait3A_232 : memref<2x128xi32, #tpu.memory_space<hbm>>) dst(%arg6 : memref<2x128xi32, #tpu.memory_space<vmem>>)
      tpu.yield
    }) : () -> ()
    %dma_start3A = arith.constant 0 : i32
    %dma_start3A_3 = arith.constant 0 : i32
    %dma_start3A_4 = arith.constant 0 : i32
    %dma_start3A_5 = arith.constant 0 : i32
    %dma_start3A_6 = tpu.memref_slice %arg7[%dma_start3A_3, %dma_start3A_4, %dma_start3A_5] : memref<4x32x768xf32, #tpu.memory_space<vmem>> -> memref<1x32x768xf32, #tpu.memory_space<vmem>>
    %dma_start3A_7 = tpu.memref_squeeze %dma_start3A_6 : memref<1x32x768xf32, #tpu.memory_space<vmem>> -> memref<32x768xf32, #tpu.memory_space<vmem>>
    %dma_start3A_8 = arith.constant 0 : i32
    %dma_start3A_9 = tpu.memref_slice %arg6[%dma_start3A, %dma_start3A_8] : memref<2x128xi32, #tpu.memory_space<vmem>> -> memref<1x32xi32, #tpu.memory_space<vmem>>
    %dma_start3A_10 = tpu.memref_squeeze %dma_start3A_9 : memref<1x32xi32, #tpu.memory_space<vmem>> -> memref<32xi32, #tpu.memory_space<vmem>>
    %dma_start3A_11 = arith.constant 0 : i32
    %dma_start3A_12 = arith.constant 0 : i32
    %dma_start3A_13 = tpu.memref_slice %arg3[%dma_start3A_11, %dma_start3A_12] : memref<9216x768xf32, #tpu.memory_space<hbm>> -> memref<9216x768xf32, #tpu.memory_space<hbm>>
    tpu.enqueue_indirect_dma source(%dma_start3A_13 : memref<9216x768xf32, #tpu.memory_space<hbm>>) target(%dma_start3A_7 : memref<32x768xf32, #tpu.memory_space<vmem>>) offsets(%dma_start3A_10 : memref<32xi32, #tpu.memory_space<vmem>>) semaphore(%arg8 : memref<!tpu.dma_semaphore, #tpu.memory_space<semaphore_mem>>)
    %dma_start3A_14 = arith.constant 1 : i32
    %dma_start3A_15 = arith.constant 1 : i32
    %dma_start3A_16 = arith.constant 0 : i32
    %dma_start3A_17 = arith.constant 0 : i32
    %dma_start3A_18 = tpu.memref_slice %arg7[%dma_start3A_15, %dma_start3A_16, %dma_start3A_17] : memref<4x32x768xf32, #tpu.memory_space<vmem>> -> memref<1x32x768xf32, #tpu.memory_space<vmem>>
    %dma_start3A_19 = tpu.memref_squeeze %dma_start3A_18 : memref<1x32x768xf32, #tpu.memory_space<vmem>> -> memref<32x768xf32, #tpu.memory_space<vmem>>
    %dma_start3A_20 = arith.constant 0 : i32
    %dma_start3A_21 = tpu.memref_slice %arg6[%dma_start3A_14, %dma_start3A_20] : memref<2x128xi32, #tpu.memory_space<vmem>> -> memref<1x32xi32, #tpu.memory_space<vmem>>
    %dma_start3A_22 = tpu.memref_squeeze %dma_start3A_21 : memref<1x32xi32, #tpu.memory_space<vmem>> -> memref<32xi32, #tpu.memory_space<vmem>>
    %dma_start3A_23 = arith.constant 0 : i32
    %dma_start3A_24 = arith.constant 0 : i32
    %dma_start3A_25 = tpu.memref_slice %arg3[%dma_start3A_23, %dma_start3A_24] : memref<9216x768xf32, #tpu.memory_space<hbm>> -> memref<9216x768xf32, #tpu.memory_space<hbm>>
    tpu.enqueue_indirect_dma source(%dma_start3A_25 : memref<9216x768xf32, #tpu.memory_space<hbm>>) target(%dma_start3A_19 : memref<32x768xf32, #tpu.memory_space<vmem>>) offsets(%dma_start3A_22 : memref<32xi32, #tpu.memory_space<vmem>>) semaphore(%arg8 : memref<!tpu.dma_semaphore, #tpu.memory_space<semaphore_mem>>)
    %dma_start3A_26 = arith.constant 0 : i32
    %dma_start3A_27 = arith.constant 2 : i32
    %dma_start3A_28 = arith.constant 0 : i32
    %dma_start3A_29 = arith.constant 0 : i32
    %dma_start3A_30 = tpu.memref_slice %arg7[%dma_start3A_27, %dma_start3A_28, %dma_start3A_29] : memref<4x32x768xf32, #tpu.memory_space<vmem>> -> memref<1x32x768xf32, #tpu.memory_space<vmem>>
    %dma_start3A_31 = tpu.memref_squeeze %dma_start3A_30 : memref<1x32x768xf32, #tpu.memory_space<vmem>> -> memref<32x768xf32, #tpu.memory_space<vmem>>
    %dma_start3A_32 = arith.constant 32 : i32
    %dma_start3A_33 = tpu.memref_slice %arg6[%dma_start3A_26, %dma_start3A_32] : memref<2x128xi32, #tpu.memory_space<vmem>> -> memref<1x32xi32, #tpu.memory_space<vmem>>
    %dma_start3A_34 = tpu.memref_squeeze %dma_start3A_33 : memref<1x32xi32, #tpu.memory_space<vmem>> -> memref<32xi32, #tpu.memory_space<vmem>>
    %dma_start3A_35 = arith.constant 0 : i32
    %dma_start3A_36 = arith.constant 0 : i32
    %dma_start3A_37 = tpu.memref_slice %arg3[%dma_start3A_35, %dma_start3A_36] : memref<9216x768xf32, #tpu.memory_space<hbm>> -> memref<9216x768xf32, #tpu.memory_space<hbm>>
    tpu.enqueue_indirect_dma source(%dma_start3A_37 : memref<9216x768xf32, #tpu.memory_space<hbm>>) target(%dma_start3A_31 : memref<32x768xf32, #tpu.memory_space<vmem>>) offsets(%dma_start3A_34 : memref<32xi32, #tpu.memory_space<vmem>>) semaphore(%arg8 : memref<!tpu.dma_semaphore, #tpu.memory_space<semaphore_mem>>)
    %dma_start3A_38 = arith.constant 1 : i32
    %dma_start3A_39 = arith.constant 3 : i32
    %dma_start3A_40 = arith.constant 0 : i32
    %dma_start3A_41 = arith.constant 0 : i32
    %dma_start3A_42 = tpu.memref_slice %arg7[%dma_start3A_39, %dma_start3A_40, %dma_start3A_41] : memref<4x32x768xf32, #tpu.memory_space<vmem>> -> memref<1x32x768xf32, #tpu.memory_space<vmem>>
    %dma_start3A_43 = tpu.memref_squeeze %dma_start3A_42 : memref<1x32x768xf32, #tpu.memory_space<vmem>> -> memref<32x768xf32, #tpu.memory_space<vmem>>
    %dma_start3A_44 = arith.constant 32 : i32
    %dma_start3A_45 = tpu.memref_slice %arg6[%dma_start3A_38, %dma_start3A_44] : memref<2x128xi32, #tpu.memory_space<vmem>> -> memref<1x32xi32, #tpu.memory_space<vmem>>
    %dma_start3A_46 = tpu.memref_squeeze %dma_start3A_45 : memref<1x32xi32, #tpu.memory_space<vmem>> -> memref<32xi32, #tpu.memory_space<vmem>>
    %dma_start3A_47 = arith.constant 0 : i32
    %dma_start3A_48 = arith.constant 0 : i32
    %dma_start3A_49 = tpu.memref_slice %arg3[%dma_start3A_47, %dma_start3A_48] : memref<9216x768xf32, #tpu.memory_space<hbm>> -> memref<9216x768xf32, #tpu.memory_space<hbm>>
    tpu.enqueue_indirect_dma source(%dma_start3A_49 : memref<9216x768xf32, #tpu.memory_space<hbm>>) target(%dma_start3A_43 : memref<32x768xf32, #tpu.memory_space<vmem>>) offsets(%dma_start3A_46 : memref<32xi32, #tpu.memory_space<vmem>>) semaphore(%arg8 : memref<!tpu.dma_semaphore, #tpu.memory_space<semaphore_mem>>)
    %dma_wait3A = arith.constant 0 : i32
    %dma_wait3A_50 = arith.constant 0 : i32
    %dma_wait3A_51 = arith.constant 0 : i32
    %dma_wait3A_52 = arith.constant 0 : i32
    %dma_wait3A_53 = tpu.memref_slice %arg7[%dma_wait3A_50, %dma_wait3A_51, %dma_wait3A_52] : memref<4x32x768xf32, #tpu.memory_space<vmem>> -> memref<1x32x768xf32, #tpu.memory_space<vmem>>
    %dma_wait3A_54 = tpu.memref_squeeze %dma_wait3A_53 : memref<1x32x768xf32, #tpu.memory_space<vmem>> -> memref<32x768xf32, #tpu.memory_space<vmem>>
    %dma_wait3A_55 = arith.constant 0 : i32
    %dma_wait3A_56 = tpu.memref_slice %arg6[%dma_wait3A, %dma_wait3A_55] : memref<2x128xi32, #tpu.memory_space<vmem>> -> memref<1x32xi32, #tpu.memory_space<vmem>>
    %dma_wait3A_57 = tpu.memref_squeeze %dma_wait3A_56 : memref<1x32xi32, #tpu.memory_space<vmem>> -> memref<32xi32, #tpu.memory_space<vmem>>
    %dma_wait3A_58 = arith.constant 0 : i32
    %dma_wait3A_59 = arith.constant 0 : i32
    %dma_wait3A_60 = tpu.memref_slice %arg3[%dma_wait3A_58, %dma_wait3A_59] : memref<9216x768xf32, #tpu.memory_space<hbm>> -> memref<9216x768xf32, #tpu.memory_space<hbm>>
    tpu.wait_indirect_dma semaphore(%arg8 : memref<!tpu.dma_semaphore, #tpu.memory_space<semaphore_mem>>) src(%dma_wait3A_60 : memref<9216x768xf32, #tpu.memory_space<hbm>>) dst(%dma_wait3A_54 : memref<32x768xf32, #tpu.memory_space<vmem>>)
    %dma_wait3A_61 = arith.constant 1 : i32
    %dma_wait3A_62 = arith.constant 1 : i32
    %dma_wait3A_63 = arith.constant 0 : i32
    %dma_wait3A_64 = arith.constant 0 : i32
    %dma_wait3A_65 = tpu.memref_slice %arg7[%dma_wait3A_62, %dma_wait3A_63, %dma_wait3A_64] : memref<4x32x768xf32, #tpu.memory_space<vmem>> -> memref<1x32x768xf32, #tpu.memory_space<vmem>>
    %dma_wait3A_66 = tpu.memref_squeeze %dma_wait3A_65 : memref<1x32x768xf32, #tpu.memory_space<vmem>> -> memref<32x768xf32, #tpu.memory_space<vmem>>
    %dma_wait3A_67 = arith.constant 0 : i32
    %dma_wait3A_68 = tpu.memref_slice %arg6[%dma_wait3A_61, %dma_wait3A_67] : memref<2x128xi32, #tpu.memory_space<vmem>> -> memref<1x32xi32, #tpu.memory_space<vmem>>
    %dma_wait3A_69 = tpu.memref_squeeze %dma_wait3A_68 : memref<1x32xi32, #tpu.memory_space<vmem>> -> memref<32xi32, #tpu.memory_space<vmem>>
    %dma_wait3A_70 = arith.constant 0 : i32
    %dma_wait3A_71 = arith.constant 0 : i32
    %dma_wait3A_72 = tpu.memref_slice %arg3[%dma_wait3A_70, %dma_wait3A_71] : memref<9216x768xf32, #tpu.memory_space<hbm>> -> memref<9216x768xf32, #tpu.memory_space<hbm>>
    tpu.wait_indirect_dma semaphore(%arg8 : memref<!tpu.dma_semaphore, #tpu.memory_space<semaphore_mem>>) src(%dma_wait3A_72 : memref<9216x768xf32, #tpu.memory_space<hbm>>) dst(%dma_wait3A_66 : memref<32x768xf32, #tpu.memory_space<vmem>>)
    %add3A_73 = arith.constant 0 : i32
    %add3A_74 = arith.addi %mul3A_2, %add3A_73 : i32
    %run_scoped3A = arith.constant 0 : i32
    "tpu.region"() ({
      %run_scoped3A_216 = tpu.sem_alloc : memref<!tpu.dma_semaphore, #tpu.memory_space<semaphore_mem>>
      %dma_start3A_217 = arith.constant 0 : i32
      %dma_start3A_218 = arith.constant 0 : i32
      %dma_start3A_219 = tpu.memref_slice %arg7[%run_scoped3A, %dma_start3A_217, %dma_start3A_218] : memref<4x32x768xf32, #tpu.memory_space<vmem>> -> memref<1x32x768xf32, #tpu.memory_space<vmem>>
      %dma_start3A_220 = tpu.memref_squeeze %dma_start3A_219 : memref<1x32x768xf32, #tpu.memory_space<vmem>> -> memref<32x768xf32, #tpu.memory_space<vmem>>
      %dma_start3A_221 = arith.constant 0 : i32
      %dma_start3A_222 = tpu.memref_slice %arg4[%add3A_74, %dma_start3A_221] : memref<4096x768xf32, #tpu.memory_space<hbm>> -> memref<32x768xf32, #tpu.memory_space<hbm>>
      %dma_start3A_223 = arith.constant 0 : i32
      %dma_start3A_224 = tpu.memref_slice %arg4[%add3A_74, %dma_start3A_223] : memref<4096x768xf32, #tpu.memory_space<hbm>> -> memref<32x768xf32, #tpu.memory_space<hbm>>
      %dma_start3A_225 = arith.constant 0 : i32
      %dma_start3A_226 = arith.constant 0 : i32
      %dma_start3A_227 = tpu.memref_slice %arg7[%run_scoped3A, %dma_start3A_225, %dma_start3A_226] : memref<4x32x768xf32, #tpu.memory_space<vmem>> -> memref<1x32x768xf32, #tpu.memory_space<vmem>>
      %dma_start3A_228 = tpu.memref_squeeze %dma_start3A_227 : memref<1x32x768xf32, #tpu.memory_space<vmem>> -> memref<32x768xf32, #tpu.memory_space<vmem>>
      tpu.enqueue_dma source(%dma_start3A_228 : memref<32x768xf32, #tpu.memory_space<vmem>>) target(%dma_start3A_224 : memref<32x768xf32, #tpu.memory_space<hbm>>) target_semaphore(%run_scoped3A_216 : memref<!tpu.dma_semaphore, #tpu.memory_space<semaphore_mem>>)
      %dma_wait3A_229 = arith.constant 0 : i32
      %dma_wait3A_230 = arith.constant 0 : i32
      %dma_wait3A_231 = tpu.memref_slice %arg7[%run_scoped3A, %dma_wait3A_229, %dma_wait3A_230] : memref<4x32x768xf32, #tpu.memory_space<vmem>> -> memref<1x32x768xf32, #tpu.memory_space<vmem>>
      %dma_wait3A_232 = tpu.memref_squeeze %dma_wait3A_231 : memref<1x32x768xf32, #tpu.memory_space<vmem>> -> memref<32x768xf32, #tpu.memory_space<vmem>>
      %dma_wait3A_233 = arith.constant 0 : i32
      %dma_wait3A_234 = tpu.memref_slice %arg4[%add3A_74, %dma_wait3A_233] : memref<4096x768xf32, #tpu.memory_space<hbm>> -> memref<32x768xf32, #tpu.memory_space<hbm>>
      %dma_wait3A_235 = arith.constant 0 : i32
      %dma_wait3A_236 = tpu.memref_slice %arg4[%add3A_74, %dma_wait3A_235] : memref<4096x768xf32, #tpu.memory_space<hbm>> -> memref<32x768xf32, #tpu.memory_space<hbm>>
      %dma_wait3A_237 = arith.constant 0 : i32
      %dma_wait3A_238 = arith.constant 0 : i32
      %dma_wait3A_239 = tpu.memref_slice %arg7[%run_scoped3A, %dma_wait3A_237, %dma_wait3A_238] : memref<4x32x768xf32, #tpu.memory_space<vmem>> -> memref<1x32x768xf32, #tpu.memory_space<vmem>>
      %dma_wait3A_240 = tpu.memref_squeeze %dma_wait3A_239 : memref<1x32x768xf32, #tpu.memory_space<vmem>> -> memref<32x768xf32, #tpu.memory_space<vmem>>
      tpu.wait_dma2 semaphore(%run_scoped3A_216 : memref<!tpu.dma_semaphore, #tpu.memory_space<semaphore_mem>>) src(%dma_wait3A_240 : memref<32x768xf32, #tpu.memory_space<vmem>>) dst(%dma_wait3A_236 : memref<32x768xf32, #tpu.memory_space<hbm>>)
      tpu.yield
    }) : () -> ()
    %add3A_75 = arith.constant 0 : i32
    %add3A_76 = arith.addi %mul3A_2, %add3A_75 : i32
    %run_scoped3A_77 = arith.constant 1 : i32
    "tpu.region"() ({
      %run_scoped3A_216 = tpu.sem_alloc : memref<!tpu.dma_semaphore, #tpu.memory_space<semaphore_mem>>
      %dma_start3A_217 = arith.constant 0 : i32
      %dma_start3A_218 = arith.constant 0 : i32
      %dma_start3A_219 = tpu.memref_slice %arg7[%run_scoped3A_77, %dma_start3A_217, %dma_start3A_218] : memref<4x32x768xf32, #tpu.memory_space<vmem>> -> memref<1x32x768xf32, #tpu.memory_space<vmem>>
      %dma_start3A_220 = tpu.memref_squeeze %dma_start3A_219 : memref<1x32x768xf32, #tpu.memory_space<vmem>> -> memref<32x768xf32, #tpu.memory_space<vmem>>
      %dma_start3A_221 = arith.constant 0 : i32
      %dma_start3A_222 = tpu.memref_slice %arg5[%add3A_76, %dma_start3A_221] : memref<4096x768xf32, #tpu.memory_space<hbm>> -> memref<32x768xf32, #tpu.memory_space<hbm>>
      %dma_start3A_223 = arith.constant 0 : i32
      %dma_start3A_224 = tpu.memref_slice %arg5[%add3A_76, %dma_start3A_223] : memref<4096x768xf32, #tpu.memory_space<hbm>> -> memref<32x768xf32, #tpu.memory_space<hbm>>
      %dma_start3A_225 = arith.constant 0 : i32
      %dma_start3A_226 = arith.constant 0 : i32
      %dma_start3A_227 = tpu.memref_slice %arg7[%run_scoped3A_77, %dma_start3A_225, %dma_start3A_226] : memref<4x32x768xf32, #tpu.memory_space<vmem>> -> memref<1x32x768xf32, #tpu.memory_space<vmem>>
      %dma_start3A_228 = tpu.memref_squeeze %dma_start3A_227 : memref<1x32x768xf32, #tpu.memory_space<vmem>> -> memref<32x768xf32, #tpu.memory_space<vmem>>
      tpu.enqueue_dma source(%dma_start3A_228 : memref<32x768xf32, #tpu.memory_space<vmem>>) target(%dma_start3A_224 : memref<32x768xf32, #tpu.memory_space<hbm>>) target_semaphore(%run_scoped3A_216 : memref<!tpu.dma_semaphore, #tpu.memory_space<semaphore_mem>>)
      %dma_wait3A_229 = arith.constant 0 : i32
      %dma_wait3A_230 = arith.constant 0 : i32
      %dma_wait3A_231 = tpu.memref_slice %arg7[%run_scoped3A_77, %dma_wait3A_229, %dma_wait3A_230] : memref<4x32x768xf32, #tpu.memory_space<vmem>> -> memref<1x32x768xf32, #tpu.memory_space<vmem>>
      %dma_wait3A_232 = tpu.memref_squeeze %dma_wait3A_231 : memref<1x32x768xf32, #tpu.memory_space<vmem>> -> memref<32x768xf32, #tpu.memory_space<vmem>>
      %dma_wait3A_233 = arith.constant 0 : i32
      %dma_wait3A_234 = tpu.memref_slice %arg5[%add3A_76, %dma_wait3A_233] : memref<4096x768xf32, #tpu.memory_space<hbm>> -> memref<32x768xf32, #tpu.memory_space<hbm>>
      %dma_wait3A_235 = arith.constant 0 : i32
      %dma_wait3A_236 = tpu.memref_slice %arg5[%add3A_76, %dma_wait3A_235] : memref<4096x768xf32, #tpu.memory_space<hbm>> -> memref<32x768xf32, #tpu.memory_space<hbm>>
      %dma_wait3A_237 = arith.constant 0 : i32
      %dma_wait3A_238 = arith.constant 0 : i32
      %dma_wait3A_239 = tpu.memref_slice %arg7[%run_scoped3A_77, %dma_wait3A_237, %dma_wait3A_238] : memref<4x32x768xf32, #tpu.memory_space<vmem>> -> memref<1x32x768xf32, #tpu.memory_space<vmem>>
      %dma_wait3A_240 = tpu.memref_squeeze %dma_wait3A_239 : memref<1x32x768xf32, #tpu.memory_space<vmem>> -> memref<32x768xf32, #tpu.memory_space<vmem>>
      tpu.wait_dma2 semaphore(%run_scoped3A_216 : memref<!tpu.dma_semaphore, #tpu.memory_space<semaphore_mem>>) src(%dma_wait3A_240 : memref<32x768xf32, #tpu.memory_space<vmem>>) dst(%dma_wait3A_236 : memref<32x768xf32, #tpu.memory_space<hbm>>)
      tpu.yield
    }) : () -> ()
    %dma_start3A_78 = arith.constant 0 : i32
    %dma_start3A_79 = arith.constant 0 : i32
    %dma_start3A_80 = arith.constant 0 : i32
    %dma_start3A_81 = arith.constant 0 : i32
    %dma_start3A_82 = tpu.memref_slice %arg7[%dma_start3A_79, %dma_start3A_80, %dma_start3A_81] : memref<4x32x768xf32, #tpu.memory_space<vmem>> -> memref<1x32x768xf32, #tpu.memory_space<vmem>>
    %dma_start3A_83 = tpu.memref_squeeze %dma_start3A_82 : memref<1x32x768xf32, #tpu.memory_space<vmem>> -> memref<32x768xf32, #tpu.memory_space<vmem>>
    %dma_start3A_84 = arith.constant 64 : i32
    %dma_start3A_85 = tpu.memref_slice %arg6[%dma_start3A_78, %dma_start3A_84] : memref<2x128xi32, #tpu.memory_space<vmem>> -> memref<1x32xi32, #tpu.memory_space<vmem>>
    %dma_start3A_86 = tpu.memref_squeeze %dma_start3A_85 : memref<1x32xi32, #tpu.memory_space<vmem>> -> memref<32xi32, #tpu.memory_space<vmem>>
    %dma_start3A_87 = arith.constant 0 : i32
    %dma_start3A_88 = arith.constant 0 : i32
    %dma_start3A_89 = tpu.memref_slice %arg3[%dma_start3A_87, %dma_start3A_88] : memref<9216x768xf32, #tpu.memory_space<hbm>> -> memref<9216x768xf32, #tpu.memory_space<hbm>>
    tpu.enqueue_indirect_dma source(%dma_start3A_89 : memref<9216x768xf32, #tpu.memory_space<hbm>>) target(%dma_start3A_83 : memref<32x768xf32, #tpu.memory_space<vmem>>) offsets(%dma_start3A_86 : memref<32xi32, #tpu.memory_space<vmem>>) semaphore(%arg8 : memref<!tpu.dma_semaphore, #tpu.memory_space<semaphore_mem>>)
    %dma_start3A_90 = arith.constant 1 : i32
    %dma_start3A_91 = arith.constant 1 : i32
    %dma_start3A_92 = arith.constant 0 : i32
    %dma_start3A_93 = arith.constant 0 : i32
    %dma_start3A_94 = tpu.memref_slice %arg7[%dma_start3A_91, %dma_start3A_92, %dma_start3A_93] : memref<4x32x768xf32, #tpu.memory_space<vmem>> -> memref<1x32x768xf32, #tpu.memory_space<vmem>>
    %dma_start3A_95 = tpu.memref_squeeze %dma_start3A_94 : memref<1x32x768xf32, #tpu.memory_space<vmem>> -> memref<32x768xf32, #tpu.memory_space<vmem>>
    %dma_start3A_96 = arith.constant 64 : i32
    %dma_start3A_97 = tpu.memref_slice %arg6[%dma_start3A_90, %dma_start3A_96] : memref<2x128xi32, #tpu.memory_space<vmem>> -> memref<1x32xi32, #tpu.memory_space<vmem>>
    %dma_start3A_98 = tpu.memref_squeeze %dma_start3A_97 : memref<1x32xi32, #tpu.memory_space<vmem>> -> memref<32xi32, #tpu.memory_space<vmem>>
    %dma_start3A_99 = arith.constant 0 : i32
    %dma_start3A_100 = arith.constant 0 : i32
    %dma_start3A_101 = tpu.memref_slice %arg3[%dma_start3A_99, %dma_start3A_100] : memref<9216x768xf32, #tpu.memory_space<hbm>> -> memref<9216x768xf32, #tpu.memory_space<hbm>>
    tpu.enqueue_indirect_dma source(%dma_start3A_101 : memref<9216x768xf32, #tpu.memory_space<hbm>>) target(%dma_start3A_95 : memref<32x768xf32, #tpu.memory_space<vmem>>) offsets(%dma_start3A_98 : memref<32xi32, #tpu.memory_space<vmem>>) semaphore(%arg8 : memref<!tpu.dma_semaphore, #tpu.memory_space<semaphore_mem>>)
    %dma_wait3A_102 = arith.constant 0 : i32
    %dma_wait3A_103 = arith.constant 2 : i32
    %dma_wait3A_104 = arith.constant 0 : i32
    %dma_wait3A_105 = arith.constant 0 : i32
    %dma_wait3A_106 = tpu.memref_slice %arg7[%dma_wait3A_103, %dma_wait3A_104, %dma_wait3A_105] : memref<4x32x768xf32, #tpu.memory_space<vmem>> -> memref<1x32x768xf32, #tpu.memory_space<vmem>>
    %dma_wait3A_107 = tpu.memref_squeeze %dma_wait3A_106 : memref<1x32x768xf32, #tpu.memory_space<vmem>> -> memref<32x768xf32, #tpu.memory_space<vmem>>
    %dma_wait3A_108 = arith.constant 32 : i32
    %dma_wait3A_109 = tpu.memref_slice %arg6[%dma_wait3A_102, %dma_wait3A_108] : memref<2x128xi32, #tpu.memory_space<vmem>> -> memref<1x32xi32, #tpu.memory_space<vmem>>
    %dma_wait3A_110 = tpu.memref_squeeze %dma_wait3A_109 : memref<1x32xi32, #tpu.memory_space<vmem>> -> memref<32xi32, #tpu.memory_space<vmem>>
    %dma_wait3A_111 = arith.constant 0 : i32
    %dma_wait3A_112 = arith.constant 0 : i32
    %dma_wait3A_113 = tpu.memref_slice %arg3[%dma_wait3A_111, %dma_wait3A_112] : memref<9216x768xf32, #tpu.memory_space<hbm>> -> memref<9216x768xf32, #tpu.memory_space<hbm>>
    tpu.wait_indirect_dma semaphore(%arg8 : memref<!tpu.dma_semaphore, #tpu.memory_space<semaphore_mem>>) src(%dma_wait3A_113 : memref<9216x768xf32, #tpu.memory_space<hbm>>) dst(%dma_wait3A_107 : memref<32x768xf32, #tpu.memory_space<vmem>>)
    %dma_wait3A_114 = arith.constant 1 : i32
    %dma_wait3A_115 = arith.constant 3 : i32
    %dma_wait3A_116 = arith.constant 0 : i32
    %dma_wait3A_117 = arith.constant 0 : i32
    %dma_wait3A_118 = tpu.memref_slice %arg7[%dma_wait3A_115, %dma_wait3A_116, %dma_wait3A_117] : memref<4x32x768xf32, #tpu.memory_space<vmem>> -> memref<1x32x768xf32, #tpu.memory_space<vmem>>
    %dma_wait3A_119 = tpu.memref_squeeze %dma_wait3A_118 : memref<1x32x768xf32, #tpu.memory_space<vmem>> -> memref<32x768xf32, #tpu.memory_space<vmem>>
    %dma_wait3A_120 = arith.constant 32 : i32
    %dma_wait3A_121 = tpu.memref_slice %arg6[%dma_wait3A_114, %dma_wait3A_120] : memref<2x128xi32, #tpu.memory_space<vmem>> -> memref<1x32xi32, #tpu.memory_space<vmem>>
    %dma_wait3A_122 = tpu.memref_squeeze %dma_wait3A_121 : memref<1x32xi32, #tpu.memory_space<vmem>> -> memref<32xi32, #tpu.memory_space<vmem>>
    %dma_wait3A_123 = arith.constant 0 : i32
    %dma_wait3A_124 = arith.constant 0 : i32
    %dma_wait3A_125 = tpu.memref_slice %arg3[%dma_wait3A_123, %dma_wait3A_124] : memref<9216x768xf32, #tpu.memory_space<hbm>> -> memref<9216x768xf32, #tpu.memory_space<hbm>>
    tpu.wait_indirect_dma semaphore(%arg8 : memref<!tpu.dma_semaphore, #tpu.memory_space<semaphore_mem>>) src(%dma_wait3A_125 : memref<9216x768xf32, #tpu.memory_space<hbm>>) dst(%dma_wait3A_119 : memref<32x768xf32, #tpu.memory_space<vmem>>)
    %add3A_126 = arith.constant 32 : i32
    %add3A_127 = arith.addi %mul3A_2, %add3A_126 : i32
    %run_scoped3A_128 = arith.constant 2 : i32
    "tpu.region"() ({
      %run_scoped3A_216 = tpu.sem_alloc : memref<!tpu.dma_semaphore, #tpu.memory_space<semaphore_mem>>
      %dma_start3A_217 = arith.constant 0 : i32
      %dma_start3A_218 = arith.constant 0 : i32
      %dma_start3A_219 = tpu.memref_slice %arg7[%run_scoped3A_128, %dma_start3A_217, %dma_start3A_218] : memref<4x32x768xf32, #tpu.memory_space<vmem>> -> memref<1x32x768xf32, #tpu.memory_space<vmem>>
      %dma_start3A_220 = tpu.memref_squeeze %dma_start3A_219 : memref<1x32x768xf32, #tpu.memory_space<vmem>> -> memref<32x768xf32, #tpu.memory_space<vmem>>
      %dma_start3A_221 = arith.constant 0 : i32
      %dma_start3A_222 = tpu.memref_slice %arg4[%add3A_127, %dma_start3A_221] : memref<4096x768xf32, #tpu.memory_space<hbm>> -> memref<32x768xf32, #tpu.memory_space<hbm>>
      %dma_start3A_223 = arith.constant 0 : i32
      %dma_start3A_224 = tpu.memref_slice %arg4[%add3A_127, %dma_start3A_223] : memref<4096x768xf32, #tpu.memory_space<hbm>> -> memref<32x768xf32, #tpu.memory_space<hbm>>
      %dma_start3A_225 = arith.constant 0 : i32
      %dma_start3A_226 = arith.constant 0 : i32
      %dma_start3A_227 = tpu.memref_slice %arg7[%run_scoped3A_128, %dma_start3A_225, %dma_start3A_226] : memref<4x32x768xf32, #tpu.memory_space<vmem>> -> memref<1x32x768xf32, #tpu.memory_space<vmem>>
      %dma_start3A_228 = tpu.memref_squeeze %dma_start3A_227 : memref<1x32x768xf32, #tpu.memory_space<vmem>> -> memref<32x768xf32, #tpu.memory_space<vmem>>
      tpu.enqueue_dma source(%dma_start3A_228 : memref<32x768xf32, #tpu.memory_space<vmem>>) target(%dma_start3A_224 : memref<32x768xf32, #tpu.memory_space<hbm>>) target_semaphore(%run_scoped3A_216 : memref<!tpu.dma_semaphore, #tpu.memory_space<semaphore_mem>>)
      %dma_wait3A_229 = arith.constant 0 : i32
      %dma_wait3A_230 = arith.constant 0 : i32
      %dma_wait3A_231 = tpu.memref_slice %arg7[%run_scoped3A_128, %dma_wait3A_229, %dma_wait3A_230] : memref<4x32x768xf32, #tpu.memory_space<vmem>> -> memref<1x32x768xf32, #tpu.memory_space<vmem>>
      %dma_wait3A_232 = tpu.memref_squeeze %dma_wait3A_231 : memref<1x32x768xf32, #tpu.memory_space<vmem>> -> memref<32x768xf32, #tpu.memory_space<vmem>>
      %dma_wait3A_233 = arith.constant 0 : i32
      %dma_wait3A_234 = tpu.memref_slice %arg4[%add3A_127, %dma_wait3A_233] : memref<4096x768xf32, #tpu.memory_space<hbm>> -> memref<32x768xf32, #tpu.memory_space<hbm>>
      %dma_wait3A_235 = arith.constant 0 : i32
      %dma_wait3A_236 = tpu.memref_slice %arg4[%add3A_127, %dma_wait3A_235] : memref<4096x768xf32, #tpu.memory_space<hbm>> -> memref<32x768xf32, #tpu.memory_space<hbm>>
      %dma_wait3A_237 = arith.constant 0 : i32
      %dma_wait3A_238 = arith.constant 0 : i32
      %dma_wait3A_239 = tpu.memref_slice %arg7[%run_scoped3A_128, %dma_wait3A_237, %dma_wait3A_238] : memref<4x32x768xf32, #tpu.memory_space<vmem>> -> memref<1x32x768xf32, #tpu.memory_space<vmem>>
      %dma_wait3A_240 = tpu.memref_squeeze %dma_wait3A_239 : memref<1x32x768xf32, #tpu.memory_space<vmem>> -> memref<32x768xf32, #tpu.memory_space<vmem>>
      tpu.wait_dma2 semaphore(%run_scoped3A_216 : memref<!tpu.dma_semaphore, #tpu.memory_space<semaphore_mem>>) src(%dma_wait3A_240 : memref<32x768xf32, #tpu.memory_space<vmem>>) dst(%dma_wait3A_236 : memref<32x768xf32, #tpu.memory_space<hbm>>)
      tpu.yield
    }) : () -> ()
    %add3A_129 = arith.constant 32 : i32
    %add3A_130 = arith.addi %mul3A_2, %add3A_129 : i32
    %run_scoped3A_131 = arith.constant 3 : i32
    "tpu.region"() ({
      %run_scoped3A_216 = tpu.sem_alloc : memref<!tpu.dma_semaphore, #tpu.memory_space<semaphore_mem>>
      %dma_start3A_217 = arith.constant 0 : i32
      %dma_start3A_218 = arith.constant 0 : i32
      %dma_start3A_219 = tpu.memref_slice %arg7[%run_scoped3A_131, %dma_start3A_217, %dma_start3A_218] : memref<4x32x768xf32, #tpu.memory_space<vmem>> -> memref<1x32x768xf32, #tpu.memory_space<vmem>>
      %dma_start3A_220 = tpu.memref_squeeze %dma_start3A_219 : memref<1x32x768xf32, #tpu.memory_space<vmem>> -> memref<32x768xf32, #tpu.memory_space<vmem>>
      %dma_start3A_221 = arith.constant 0 : i32
      %dma_start3A_222 = tpu.memref_slice %arg5[%add3A_130, %dma_start3A_221] : memref<4096x768xf32, #tpu.memory_space<hbm>> -> memref<32x768xf32, #tpu.memory_space<hbm>>
      %dma_start3A_223 = arith.constant 0 : i32
      %dma_start3A_224 = tpu.memref_slice %arg5[%add3A_130, %dma_start3A_223] : memref<4096x768xf32, #tpu.memory_space<hbm>> -> memref<32x768xf32, #tpu.memory_space<hbm>>
      %dma_start3A_225 = arith.constant 0 : i32
      %dma_start3A_226 = arith.constant 0 : i32
      %dma_start3A_227 = tpu.memref_slice %arg7[%run_scoped3A_131, %dma_start3A_225, %dma_start3A_226] : memref<4x32x768xf32, #tpu.memory_space<vmem>> -> memref<1x32x768xf32, #tpu.memory_space<vmem>>
      %dma_start3A_228 = tpu.memref_squeeze %dma_start3A_227 : memref<1x32x768xf32, #tpu.memory_space<vmem>> -> memref<32x768xf32, #tpu.memory_space<vmem>>
      tpu.enqueue_dma source(%dma_start3A_228 : memref<32x768xf32, #tpu.memory_space<vmem>>) target(%dma_start3A_224 : memref<32x768xf32, #tpu.memory_space<hbm>>) target_semaphore(%run_scoped3A_216 : memref<!tpu.dma_semaphore, #tpu.memory_space<semaphore_mem>>)
      %dma_wait3A_229 = arith.constant 0 : i32
      %dma_wait3A_230 = arith.constant 0 : i32
      %dma_wait3A_231 = tpu.memref_slice %arg7[%run_scoped3A_131, %dma_wait3A_229, %dma_wait3A_230] : memref<4x32x768xf32, #tpu.memory_space<vmem>> -> memref<1x32x768xf32, #tpu.memory_space<vmem>>
      %dma_wait3A_232 = tpu.memref_squeeze %dma_wait3A_231 : memref<1x32x768xf32, #tpu.memory_space<vmem>> -> memref<32x768xf32, #tpu.memory_space<vmem>>
      %dma_wait3A_233 = arith.constant 0 : i32
      %dma_wait3A_234 = tpu.memref_slice %arg5[%add3A_130, %dma_wait3A_233] : memref<4096x768xf32, #tpu.memory_space<hbm>> -> memref<32x768xf32, #tpu.memory_space<hbm>>
      %dma_wait3A_235 = arith.constant 0 : i32
      %dma_wait3A_236 = tpu.memref_slice %arg5[%add3A_130, %dma_wait3A_235] : memref<4096x768xf32, #tpu.memory_space<hbm>> -> memref<32x768xf32, #tpu.memory_space<hbm>>
      %dma_wait3A_237 = arith.constant 0 : i32
      %dma_wait3A_238 = arith.constant 0 : i32
      %dma_wait3A_239 = tpu.memref_slice %arg7[%run_scoped3A_131, %dma_wait3A_237, %dma_wait3A_238] : memref<4x32x768xf32, #tpu.memory_space<vmem>> -> memref<1x32x768xf32, #tpu.memory_space<vmem>>
      %dma_wait3A_240 = tpu.memref_squeeze %dma_wait3A_239 : memref<1x32x768xf32, #tpu.memory_space<vmem>> -> memref<32x768xf32, #tpu.memory_space<vmem>>
      tpu.wait_dma2 semaphore(%run_scoped3A_216 : memref<!tpu.dma_semaphore, #tpu.memory_space<semaphore_mem>>) src(%dma_wait3A_240 : memref<32x768xf32, #tpu.memory_space<vmem>>) dst(%dma_wait3A_236 : memref<32x768xf32, #tpu.memory_space<hbm>>)
      tpu.yield
    }) : () -> ()
    %dma_start3A_132 = arith.constant 0 : i32
    %dma_start3A_133 = arith.constant 2 : i32
    %dma_start3A_134 = arith.constant 0 : i32
    %dma_start3A_135 = arith.constant 0 : i32
    %dma_start3A_136 = tpu.memref_slice %arg7[%dma_start3A_133, %dma_start3A_134, %dma_start3A_135] : memref<4x32x768xf32, #tpu.memory_space<vmem>> -> memref<1x32x768xf32, #tpu.memory_space<vmem>>
    %dma_start3A_137 = tpu.memref_squeeze %dma_start3A_136 : memref<1x32x768xf32, #tpu.memory_space<vmem>> -> memref<32x768xf32, #tpu.memory_space<vmem>>
    %dma_start3A_138 = arith.constant 96 : i32
    %dma_start3A_139 = tpu.memref_slice %arg6[%dma_start3A_132, %dma_start3A_138] : memref<2x128xi32, #tpu.memory_space<vmem>> -> memref<1x32xi32, #tpu.memory_space<vmem>>
    %dma_start3A_140 = tpu.memref_squeeze %dma_start3A_139 : memref<1x32xi32, #tpu.memory_space<vmem>> -> memref<32xi32, #tpu.memory_space<vmem>>
    %dma_start3A_141 = arith.constant 0 : i32
    %dma_start3A_142 = arith.constant 0 : i32
    %dma_start3A_143 = tpu.memref_slice %arg3[%dma_start3A_141, %dma_start3A_142] : memref<9216x768xf32, #tpu.memory_space<hbm>> -> memref<9216x768xf32, #tpu.memory_space<hbm>>
    tpu.enqueue_indirect_dma source(%dma_start3A_143 : memref<9216x768xf32, #tpu.memory_space<hbm>>) target(%dma_start3A_137 : memref<32x768xf32, #tpu.memory_space<vmem>>) offsets(%dma_start3A_140 : memref<32xi32, #tpu.memory_space<vmem>>) semaphore(%arg8 : memref<!tpu.dma_semaphore, #tpu.memory_space<semaphore_mem>>)
    %dma_start3A_144 = arith.constant 1 : i32
    %dma_start3A_145 = arith.constant 3 : i32
    %dma_start3A_146 = arith.constant 0 : i32
    %dma_start3A_147 = arith.constant 0 : i32
    %dma_start3A_148 = tpu.memref_slice %arg7[%dma_start3A_145, %dma_start3A_146, %dma_start3A_147] : memref<4x32x768xf32, #tpu.memory_space<vmem>> -> memref<1x32x768xf32, #tpu.memory_space<vmem>>
    %dma_start3A_149 = tpu.memref_squeeze %dma_start3A_148 : memref<1x32x768xf32, #tpu.memory_space<vmem>> -> memref<32x768xf32, #tpu.memory_space<vmem>>
    %dma_start3A_150 = arith.constant 96 : i32
    %dma_start3A_151 = tpu.memref_slice %arg6[%dma_start3A_144, %dma_start3A_150] : memref<2x128xi32, #tpu.memory_space<vmem>> -> memref<1x32xi32, #tpu.memory_space<vmem>>
    %dma_start3A_152 = tpu.memref_squeeze %dma_start3A_151 : memref<1x32xi32, #tpu.memory_space<vmem>> -> memref<32xi32, #tpu.memory_space<vmem>>
    %dma_start3A_153 = arith.constant 0 : i32
    %dma_start3A_154 = arith.constant 0 : i32
    %dma_start3A_155 = tpu.memref_slice %arg3[%dma_start3A_153, %dma_start3A_154] : memref<9216x768xf32, #tpu.memory_space<hbm>> -> memref<9216x768xf32, #tpu.memory_space<hbm>>
    tpu.enqueue_indirect_dma source(%dma_start3A_155 : memref<9216x768xf32, #tpu.memory_space<hbm>>) target(%dma_start3A_149 : memref<32x768xf32, #tpu.memory_space<vmem>>) offsets(%dma_start3A_152 : memref<32xi32, #tpu.memory_space<vmem>>) semaphore(%arg8 : memref<!tpu.dma_semaphore, #tpu.memory_space<semaphore_mem>>)
    %dma_wait3A_156 = arith.constant 0 : i32
    %dma_wait3A_157 = arith.constant 0 : i32
    %dma_wait3A_158 = arith.constant 0 : i32
    %dma_wait3A_159 = arith.constant 0 : i32
    %dma_wait3A_160 = tpu.memref_slice %arg7[%dma_wait3A_157, %dma_wait3A_158, %dma_wait3A_159] : memref<4x32x768xf32, #tpu.memory_space<vmem>> -> memref<1x32x768xf32, #tpu.memory_space<vmem>>
    %dma_wait3A_161 = tpu.memref_squeeze %dma_wait3A_160 : memref<1x32x768xf32, #tpu.memory_space<vmem>> -> memref<32x768xf32, #tpu.memory_space<vmem>>
    %dma_wait3A_162 = arith.constant 64 : i32
    %dma_wait3A_163 = tpu.memref_slice %arg6[%dma_wait3A_156, %dma_wait3A_162] : memref<2x128xi32, #tpu.memory_space<vmem>> -> memref<1x32xi32, #tpu.memory_space<vmem>>
    %dma_wait3A_164 = tpu.memref_squeeze %dma_wait3A_163 : memref<1x32xi32, #tpu.memory_space<vmem>> -> memref<32xi32, #tpu.memory_space<vmem>>
    %dma_wait3A_165 = arith.constant 0 : i32
    %dma_wait3A_166 = arith.constant 0 : i32
    %dma_wait3A_167 = tpu.memref_slice %arg3[%dma_wait3A_165, %dma_wait3A_166] : memref<9216x768xf32, #tpu.memory_space<hbm>> -> memref<9216x768xf32, #tpu.memory_space<hbm>>
    tpu.wait_indirect_dma semaphore(%arg8 : memref<!tpu.dma_semaphore, #tpu.memory_space<semaphore_mem>>) src(%dma_wait3A_167 : memref<9216x768xf32, #tpu.memory_space<hbm>>) dst(%dma_wait3A_161 : memref<32x768xf32, #tpu.memory_space<vmem>>)
    %dma_wait3A_168 = arith.constant 1 : i32
    %dma_wait3A_169 = arith.constant 1 : i32
    %dma_wait3A_170 = arith.constant 0 : i32
    %dma_wait3A_171 = arith.constant 0 : i32
    %dma_wait3A_172 = tpu.memref_slice %arg7[%dma_wait3A_169, %dma_wait3A_170, %dma_wait3A_171] : memref<4x32x768xf32, #tpu.memory_space<vmem>> -> memref<1x32x768xf32, #tpu.memory_space<vmem>>
    %dma_wait3A_173 = tpu.memref_squeeze %dma_wait3A_172 : memref<1x32x768xf32, #tpu.memory_space<vmem>> -> memref<32x768xf32, #tpu.memory_space<vmem>>
    %dma_wait3A_174 = arith.constant 64 : i32
    %dma_wait3A_175 = tpu.memref_slice %arg6[%dma_wait3A_168, %dma_wait3A_174] : memref<2x128xi32, #tpu.memory_space<vmem>> -> memref<1x32xi32, #tpu.memory_space<vmem>>
    %dma_wait3A_176 = tpu.memref_squeeze %dma_wait3A_175 : memref<1x32xi32, #tpu.memory_space<vmem>> -> memref<32xi32, #tpu.memory_space<vmem>>
    %dma_wait3A_177 = arith.constant 0 : i32
    %dma_wait3A_178 = arith.constant 0 : i32
    %dma_wait3A_179 = tpu.memref_slice %arg3[%dma_wait3A_177, %dma_wait3A_178] : memref<9216x768xf32, #tpu.memory_space<hbm>> -> memref<9216x768xf32, #tpu.memory_space<hbm>>
    tpu.wait_indirect_dma semaphore(%arg8 : memref<!tpu.dma_semaphore, #tpu.memory_space<semaphore_mem>>) src(%dma_wait3A_179 : memref<9216x768xf32, #tpu.memory_space<hbm>>) dst(%dma_wait3A_173 : memref<32x768xf32, #tpu.memory_space<vmem>>)
    %add3A_180 = arith.constant 64 : i32
    %add3A_181 = arith.addi %mul3A_2, %add3A_180 : i32
    %run_scoped3A_182 = arith.constant 0 : i32
    "tpu.region"() ({
      %run_scoped3A_216 = tpu.sem_alloc : memref<!tpu.dma_semaphore, #tpu.memory_space<semaphore_mem>>
      %dma_start3A_217 = arith.constant 0 : i32
      %dma_start3A_218 = arith.constant 0 : i32
      %dma_start3A_219 = tpu.memref_slice %arg7[%run_scoped3A_182, %dma_start3A_217, %dma_start3A_218] : memref<4x32x768xf32, #tpu.memory_space<vmem>> -> memref<1x32x768xf32, #tpu.memory_space<vmem>>
      %dma_start3A_220 = tpu.memref_squeeze %dma_start3A_219 : memref<1x32x768xf32, #tpu.memory_space<vmem>> -> memref<32x768xf32, #tpu.memory_space<vmem>>
      %dma_start3A_221 = arith.constant 0 : i32
      %dma_start3A_222 = tpu.memref_slice %arg4[%add3A_181, %dma_start3A_221] : memref<4096x768xf32, #tpu.memory_space<hbm>> -> memref<32x768xf32, #tpu.memory_space<hbm>>
      %dma_start3A_223 = arith.constant 0 : i32
      %dma_start3A_224 = tpu.memref_slice %arg4[%add3A_181, %dma_start3A_223] : memref<4096x768xf32, #tpu.memory_space<hbm>> -> memref<32x768xf32, #tpu.memory_space<hbm>>
      %dma_start3A_225 = arith.constant 0 : i32
      %dma_start3A_226 = arith.constant 0 : i32
      %dma_start3A_227 = tpu.memref_slice %arg7[%run_scoped3A_182, %dma_start3A_225, %dma_start3A_226] : memref<4x32x768xf32, #tpu.memory_space<vmem>> -> memref<1x32x768xf32, #tpu.memory_space<vmem>>
      %dma_start3A_228 = tpu.memref_squeeze %dma_start3A_227 : memref<1x32x768xf32, #tpu.memory_space<vmem>> -> memref<32x768xf32, #tpu.memory_space<vmem>>
      tpu.enqueue_dma source(%dma_start3A_228 : memref<32x768xf32, #tpu.memory_space<vmem>>) target(%dma_start3A_224 : memref<32x768xf32, #tpu.memory_space<hbm>>) target_semaphore(%run_scoped3A_216 : memref<!tpu.dma_semaphore, #tpu.memory_space<semaphore_mem>>)
      %dma_wait3A_229 = arith.constant 0 : i32
      %dma_wait3A_230 = arith.constant 0 : i32
      %dma_wait3A_231 = tpu.memref_slice %arg7[%run_scoped3A_182, %dma_wait3A_229, %dma_wait3A_230] : memref<4x32x768xf32, #tpu.memory_space<vmem>> -> memref<1x32x768xf32, #tpu.memory_space<vmem>>
      %dma_wait3A_232 = tpu.memref_squeeze %dma_wait3A_231 : memref<1x32x768xf32, #tpu.memory_space<vmem>> -> memref<32x768xf32, #tpu.memory_space<vmem>>
      %dma_wait3A_233 = arith.constant 0 : i32
      %dma_wait3A_234 = tpu.memref_slice %arg4[%add3A_181, %dma_wait3A_233] : memref<4096x768xf32, #tpu.memory_space<hbm>> -> memref<32x768xf32, #tpu.memory_space<hbm>>
      %dma_wait3A_235 = arith.constant 0 : i32
      %dma_wait3A_236 = tpu.memref_slice %arg4[%add3A_181, %dma_wait3A_235] : memref<4096x768xf32, #tpu.memory_space<hbm>> -> memref<32x768xf32, #tpu.memory_space<hbm>>
      %dma_wait3A_237 = arith.constant 0 : i32
      %dma_wait3A_238 = arith.constant 0 : i32
      %dma_wait3A_239 = tpu.memref_slice %arg7[%run_scoped3A_182, %dma_wait3A_237, %dma_wait3A_238] : memref<4x32x768xf32, #tpu.memory_space<vmem>> -> memref<1x32x768xf32, #tpu.memory_space<vmem>>
      %dma_wait3A_240 = tpu.memref_squeeze %dma_wait3A_239 : memref<1x32x768xf32, #tpu.memory_space<vmem>> -> memref<32x768xf32, #tpu.memory_space<vmem>>
      tpu.wait_dma2 semaphore(%run_scoped3A_216 : memref<!tpu.dma_semaphore, #tpu.memory_space<semaphore_mem>>) src(%dma_wait3A_240 : memref<32x768xf32, #tpu.memory_space<vmem>>) dst(%dma_wait3A_236 : memref<32x768xf32, #tpu.memory_space<hbm>>)
      tpu.yield
    }) : () -> ()
    %add3A_183 = arith.constant 64 : i32
    %add3A_184 = arith.addi %mul3A_2, %add3A_183 : i32
    %run_scoped3A_185 = arith.constant 1 : i32
    "tpu.region"() ({
      %run_scoped3A_216 = tpu.sem_alloc : memref<!tpu.dma_semaphore, #tpu.memory_space<semaphore_mem>>
      %dma_start3A_217 = arith.constant 0 : i32
      %dma_start3A_218 = arith.constant 0 : i32
      %dma_start3A_219 = tpu.memref_slice %arg7[%run_scoped3A_185, %dma_start3A_217, %dma_start3A_218] : memref<4x32x768xf32, #tpu.memory_space<vmem>> -> memref<1x32x768xf32, #tpu.memory_space<vmem>>
      %dma_start3A_220 = tpu.memref_squeeze %dma_start3A_219 : memref<1x32x768xf32, #tpu.memory_space<vmem>> -> memref<32x768xf32, #tpu.memory_space<vmem>>
      %dma_start3A_221 = arith.constant 0 : i32
      %dma_start3A_222 = tpu.memref_slice %arg5[%add3A_184, %dma_start3A_221] : memref<4096x768xf32, #tpu.memory_space<hbm>> -> memref<32x768xf32, #tpu.memory_space<hbm>>
      %dma_start3A_223 = arith.constant 0 : i32
      %dma_start3A_224 = tpu.memref_slice %arg5[%add3A_184, %dma_start3A_223] : memref<4096x768xf32, #tpu.memory_space<hbm>> -> memref<32x768xf32, #tpu.memory_space<hbm>>
      %dma_start3A_225 = arith.constant 0 : i32
      %dma_start3A_226 = arith.constant 0 : i32
      %dma_start3A_227 = tpu.memref_slice %arg7[%run_scoped3A_185, %dma_start3A_225, %dma_start3A_226] : memref<4x32x768xf32, #tpu.memory_space<vmem>> -> memref<1x32x768xf32, #tpu.memory_space<vmem>>
      %dma_start3A_228 = tpu.memref_squeeze %dma_start3A_227 : memref<1x32x768xf32, #tpu.memory_space<vmem>> -> memref<32x768xf32, #tpu.memory_space<vmem>>
      tpu.enqueue_dma source(%dma_start3A_228 : memref<32x768xf32, #tpu.memory_space<vmem>>) target(%dma_start3A_224 : memref<32x768xf32, #tpu.memory_space<hbm>>) target_semaphore(%run_scoped3A_216 : memref<!tpu.dma_semaphore, #tpu.memory_space<semaphore_mem>>)
      %dma_wait3A_229 = arith.constant 0 : i32
      %dma_wait3A_230 = arith.constant 0 : i32
      %dma_wait3A_231 = tpu.memref_slice %arg7[%run_scoped3A_185, %dma_wait3A_229, %dma_wait3A_230] : memref<4x32x768xf32, #tpu.memory_space<vmem>> -> memref<1x32x768xf32, #tpu.memory_space<vmem>>
      %dma_wait3A_232 = tpu.memref_squeeze %dma_wait3A_231 : memref<1x32x768xf32, #tpu.memory_space<vmem>> -> memref<32x768xf32, #tpu.memory_space<vmem>>
      %dma_wait3A_233 = arith.constant 0 : i32
      %dma_wait3A_234 = tpu.memref_slice %arg5[%add3A_184, %dma_wait3A_233] : memref<4096x768xf32, #tpu.memory_space<hbm>> -> memref<32x768xf32, #tpu.memory_space<hbm>>
      %dma_wait3A_235 = arith.constant 0 : i32
      %dma_wait3A_236 = tpu.memref_slice %arg5[%add3A_184, %dma_wait3A_235] : memref<4096x768xf32, #tpu.memory_space<hbm>> -> memref<32x768xf32, #tpu.memory_space<hbm>>
      %dma_wait3A_237 = arith.constant 0 : i32
      %dma_wait3A_238 = arith.constant 0 : i32
      %dma_wait3A_239 = tpu.memref_slice %arg7[%run_scoped3A_185, %dma_wait3A_237, %dma_wait3A_238] : memref<4x32x768xf32, #tpu.memory_space<vmem>> -> memref<1x32x768xf32, #tpu.memory_space<vmem>>
      %dma_wait3A_240 = tpu.memref_squeeze %dma_wait3A_239 : memref<1x32x768xf32, #tpu.memory_space<vmem>> -> memref<32x768xf32, #tpu.memory_space<vmem>>
      tpu.wait_dma2 semaphore(%run_scoped3A_216 : memref<!tpu.dma_semaphore, #tpu.memory_space<semaphore_mem>>) src(%dma_wait3A_240 : memref<32x768xf32, #tpu.memory_space<vmem>>) dst(%dma_wait3A_236 : memref<32x768xf32, #tpu.memory_space<hbm>>)
      tpu.yield
    }) : () -> ()
    %dma_wait3A_186 = arith.constant 0 : i32
    %dma_wait3A_187 = arith.constant 2 : i32
    %dma_wait3A_188 = arith.constant 0 : i32
    %dma_wait3A_189 = arith.constant 0 : i32
    %dma_wait3A_190 = tpu.memref_slice %arg7[%dma_wait3A_187, %dma_wait3A_188, %dma_wait3A_189] : memref<4x32x768xf32, #tpu.memory_space<vmem>> -> memref<1x32x768xf32, #tpu.memory_space<vmem>>
    %dma_wait3A_191 = tpu.memref_squeeze %dma_wait3A_190 : memref<1x32x768xf32, #tpu.memory_space<vmem>> -> memref<32x768xf32, #tpu.memory_space<vmem>>
    %dma_wait3A_192 = arith.constant 96 : i32
    %dma_wait3A_193 = tpu.memref_slice %arg6[%dma_wait3A_186, %dma_wait3A_192] : memref<2x128xi32, #tpu.memory_space<vmem>> -> memref<1x32xi32, #tpu.memory_space<vmem>>
    %dma_wait3A_194 = tpu.memref_squeeze %dma_wait3A_193 : memref<1x32xi32, #tpu.memory_space<vmem>> -> memref<32xi32, #tpu.memory_space<vmem>>
    %dma_wait3A_195 = arith.constant 0 : i32
    %dma_wait3A_196 = arith.constant 0 : i32
    %dma_wait3A_197 = tpu.memref_slice %arg3[%dma_wait3A_195, %dma_wait3A_196] : memref<9216x768xf32, #tpu.memory_space<hbm>> -> memref<9216x768xf32, #tpu.memory_space<hbm>>
    tpu.wait_indirect_dma semaphore(%arg8 : memref<!tpu.dma_semaphore, #tpu.memory_space<semaphore_mem>>) src(%dma_wait3A_197 : memref<9216x768xf32, #tpu.memory_space<hbm>>) dst(%dma_wait3A_191 : memref<32x768xf32, #tpu.memory_space<vmem>>)
    %dma_wait3A_198 = arith.constant 1 : i32
    %dma_wait3A_199 = arith.constant 3 : i32
    %dma_wait3A_200 = arith.constant 0 : i32
    %dma_wait3A_201 = arith.constant 0 : i32
    %dma_wait3A_202 = tpu.memref_slice %arg7[%dma_wait3A_199, %dma_wait3A_200, %dma_wait3A_201] : memref<4x32x768xf32, #tpu.memory_space<vmem>> -> memref<1x32x768xf32, #tpu.memory_space<vmem>>
    %dma_wait3A_203 = tpu.memref_squeeze %dma_wait3A_202 : memref<1x32x768xf32, #tpu.memory_space<vmem>> -> memref<32x768xf32, #tpu.memory_space<vmem>>
    %dma_wait3A_204 = arith.constant 96 : i32
    %dma_wait3A_205 = tpu.memref_slice %arg6[%dma_wait3A_198, %dma_wait3A_204] : memref<2x128xi32, #tpu.memory_space<vmem>> -> memref<1x32xi32, #tpu.memory_space<vmem>>
    %dma_wait3A_206 = tpu.memref_squeeze %dma_wait3A_205 : memref<1x32xi32, #tpu.memory_space<vmem>> -> memref<32xi32, #tpu.memory_space<vmem>>
    %dma_wait3A_207 = arith.constant 0 : i32
    %dma_wait3A_208 = arith.constant 0 : i32
    %dma_wait3A_209 = tpu.memref_slice %arg3[%dma_wait3A_207, %dma_wait3A_208] : memref<9216x768xf32, #tpu.memory_space<hbm>> -> memref<9216x768xf32, #tpu.memory_space<hbm>>
    tpu.wait_indirect_dma semaphore(%arg8 : memref<!tpu.dma_semaphore, #tpu.memory_space<semaphore_mem>>) src(%dma_wait3A_209 : memref<9216x768xf32, #tpu.memory_space<hbm>>) dst(%dma_wait3A_203 : memref<32x768xf32, #tpu.memory_space<vmem>>)
    %add3A_210 = arith.constant 96 : i32
    %add3A_211 = arith.addi %mul3A_2, %add3A_210 : i32
    %run_scoped3A_212 = arith.constant 2 : i32
    "tpu.region"() ({
      %run_scoped3A_216 = tpu.sem_alloc : memref<!tpu.dma_semaphore, #tpu.memory_space<semaphore_mem>>
      %dma_start3A_217 = arith.constant 0 : i32
      %dma_start3A_218 = arith.constant 0 : i32
      %dma_start3A_219 = tpu.memref_slice %arg7[%run_scoped3A_212, %dma_start3A_217, %dma_start3A_218] : memref<4x32x768xf32, #tpu.memory_space<vmem>> -> memref<1x32x768xf32, #tpu.memory_space<vmem>>
      %dma_start3A_220 = tpu.memref_squeeze %dma_start3A_219 : memref<1x32x768xf32, #tpu.memory_space<vmem>> -> memref<32x768xf32, #tpu.memory_space<vmem>>
      %dma_start3A_221 = arith.constant 0 : i32
      %dma_start3A_222 = tpu.memref_slice %arg4[%add3A_211, %dma_start3A_221] : memref<4096x768xf32, #tpu.memory_space<hbm>> -> memref<32x768xf32, #tpu.memory_space<hbm>>
      %dma_start3A_223 = arith.constant 0 : i32
      %dma_start3A_224 = tpu.memref_slice %arg4[%add3A_211, %dma_start3A_223] : memref<4096x768xf32, #tpu.memory_space<hbm>> -> memref<32x768xf32, #tpu.memory_space<hbm>>
      %dma_start3A_225 = arith.constant 0 : i32
      %dma_start3A_226 = arith.constant 0 : i32
      %dma_start3A_227 = tpu.memref_slice %arg7[%run_scoped3A_212, %dma_start3A_225, %dma_start3A_226] : memref<4x32x768xf32, #tpu.memory_space<vmem>> -> memref<1x32x768xf32, #tpu.memory_space<vmem>>
      %dma_start3A_228 = tpu.memref_squeeze %dma_start3A_227 : memref<1x32x768xf32, #tpu.memory_space<vmem>> -> memref<32x768xf32, #tpu.memory_space<vmem>>
      tpu.enqueue_dma source(%dma_start3A_228 : memref<32x768xf32, #tpu.memory_space<vmem>>) target(%dma_start3A_224 : memref<32x768xf32, #tpu.memory_space<hbm>>) target_semaphore(%run_scoped3A_216 : memref<!tpu.dma_semaphore, #tpu.memory_space<semaphore_mem>>)
      %dma_wait3A_229 = arith.constant 0 : i32
      %dma_wait3A_230 = arith.constant 0 : i32
      %dma_wait3A_231 = tpu.memref_slice %arg7[%run_scoped3A_212, %dma_wait3A_229, %dma_wait3A_230] : memref<4x32x768xf32, #tpu.memory_space<vmem>> -> memref<1x32x768xf32, #tpu.memory_space<vmem>>
      %dma_wait3A_232 = tpu.memref_squeeze %dma_wait3A_231 : memref<1x32x768xf32, #tpu.memory_space<vmem>> -> memref<32x768xf32, #tpu.memory_space<vmem>>
      %dma_wait3A_233 = arith.constant 0 : i32
      %dma_wait3A_234 = tpu.memref_slice %arg4[%add3A_211, %dma_wait3A_233] : memref<4096x768xf32, #tpu.memory_space<hbm>> -> memref<32x768xf32, #tpu.memory_space<hbm>>
      %dma_wait3A_235 = arith.constant 0 : i32
      %dma_wait3A_236 = tpu.memref_slice %arg4[%add3A_211, %dma_wait3A_235] : memref<4096x768xf32, #tpu.memory_space<hbm>> -> memref<32x768xf32, #tpu.memory_space<hbm>>
      %dma_wait3A_237 = arith.constant 0 : i32
      %dma_wait3A_238 = arith.constant 0 : i32
      %dma_wait3A_239 = tpu.memref_slice %arg7[%run_scoped3A_212, %dma_wait3A_237, %dma_wait3A_238] : memref<4x32x768xf32, #tpu.memory_space<vmem>> -> memref<1x32x768xf32, #tpu.memory_space<vmem>>
      %dma_wait3A_240 = tpu.memref_squeeze %dma_wait3A_239 : memref<1x32x768xf32, #tpu.memory_space<vmem>> -> memref<32x768xf32, #tpu.memory_space<vmem>>
      tpu.wait_dma2 semaphore(%run_scoped3A_216 : memref<!tpu.dma_semaphore, #tpu.memory_space<semaphore_mem>>) src(%dma_wait3A_240 : memref<32x768xf32, #tpu.memory_space<vmem>>) dst(%dma_wait3A_236 : memref<32x768xf32, #tpu.memory_space<hbm>>)
      tpu.yield
    }) : () -> ()
    %add3A_213 = arith.constant 96 : i32
    %add3A_214 = arith.addi %mul3A_2, %add3A_213 : i32
    %run_scoped3A_215 = arith.constant 3 : i32
    "tpu.region"() ({
      %run_scoped3A_216 = tpu.sem_alloc : memref<!tpu.dma_semaphore, #tpu.memory_space<semaphore_mem>>
      %dma_start3A_217 = arith.constant 0 : i32
      %dma_start3A_218 = arith.constant 0 : i32
      %dma_start3A_219 = tpu.memref_slice %arg7[%run_scoped3A_215, %dma_start3A_217, %dma_start3A_218] : memref<4x32x768xf32, #tpu.memory_space<vmem>> -> memref<1x32x768xf32, #tpu.memory_space<vmem>>
      %dma_start3A_220 = tpu.memref_squeeze %dma_start3A_219 : memref<1x32x768xf32, #tpu.memory_space<vmem>> -> memref<32x768xf32, #tpu.memory_space<vmem>>
      %dma_start3A_221 = arith.constant 0 : i32
      %dma_start3A_222 = tpu.memref_slice %arg5[%add3A_214, %dma_start3A_221] : memref<4096x768xf32, #tpu.memory_space<hbm>> -> memref<32x768xf32, #tpu.memory_space<hbm>>
      %dma_start3A_223 = arith.constant 0 : i32
      %dma_start3A_224 = tpu.memref_slice %arg5[%add3A_214, %dma_start3A_223] : memref<4096x768xf32, #tpu.memory_space<hbm>> -> memref<32x768xf32, #tpu.memory_space<hbm>>
      %dma_start3A_225 = arith.constant 0 : i32
      %dma_start3A_226 = arith.constant 0 : i32
      %dma_start3A_227 = tpu.memref_slice %arg7[%run_scoped3A_215, %dma_start3A_225, %dma_start3A_226] : memref<4x32x768xf32, #tpu.memory_space<vmem>> -> memref<1x32x768xf32, #tpu.memory_space<vmem>>
      %dma_start3A_228 = tpu.memref_squeeze %dma_start3A_227 : memref<1x32x768xf32, #tpu.memory_space<vmem>> -> memref<32x768xf32, #tpu.memory_space<vmem>>
      tpu.enqueue_dma source(%dma_start3A_228 : memref<32x768xf32, #tpu.memory_space<vmem>>) target(%dma_start3A_224 : memref<32x768xf32, #tpu.memory_space<hbm>>) target_semaphore(%run_scoped3A_216 : memref<!tpu.dma_semaphore, #tpu.memory_space<semaphore_mem>>)
      %dma_wait3A_229 = arith.constant 0 : i32
      %dma_wait3A_230 = arith.constant 0 : i32
      %dma_wait3A_231 = tpu.memref_slice %arg7[%run_scoped3A_215, %dma_wait3A_229, %dma_wait3A_230] : memref<4x32x768xf32, #tpu.memory_space<vmem>> -> memref<1x32x768xf32, #tpu.memory_space<vmem>>
      %dma_wait3A_232 = tpu.memref_squeeze %dma_wait3A_231 : memref<1x32x768xf32, #tpu.memory_space<vmem>> -> memref<32x768xf32, #tpu.memory_space<vmem>>
      %dma_wait3A_233 = arith.constant 0 : i32
      %dma_wait3A_234 = tpu.memref_slice %arg5[%add3A_214, %dma_wait3A_233] : memref<4096x768xf32, #tpu.memory_space<hbm>> -> memref<32x768xf32, #tpu.memory_space<hbm>>
      %dma_wait3A_235 = arith.constant 0 : i32
      %dma_wait3A_236 = tpu.memref_slice %arg5[%add3A_214, %dma_wait3A_235] : memref<4096x768xf32, #tpu.memory_space<hbm>> -> memref<32x768xf32, #tpu.memory_space<hbm>>
      %dma_wait3A_237 = arith.constant 0 : i32
      %dma_wait3A_238 = arith.constant 0 : i32
      %dma_wait3A_239 = tpu.memref_slice %arg7[%run_scoped3A_215, %dma_wait3A_237, %dma_wait3A_238] : memref<4x32x768xf32, #tpu.memory_space<vmem>> -> memref<1x32x768xf32, #tpu.memory_space<vmem>>
      %dma_wait3A_240 = tpu.memref_squeeze %dma_wait3A_239 : memref<1x32x768xf32, #tpu.memory_space<vmem>> -> memref<32x768xf32, #tpu.memory_space<vmem>>
      tpu.wait_dma2 semaphore(%run_scoped3A_216 : memref<!tpu.dma_semaphore, #tpu.memory_space<semaphore_mem>>) src(%dma_wait3A_240 : memref<32x768xf32, #tpu.memory_space<vmem>>) dst(%dma_wait3A_236 : memref<32x768xf32, #tpu.memory_space<hbm>>)
      tpu.yield
    }) : () -> ()
    return
  }
}

#map = affine_map<(d0, d1) -> (0, 0, 0)>
#map1 = affine_map<(d0, d1) -> (0, 0)>
module attributes {stable_mosaic.version = 14 : i64} {
  func.func @_dispatch_body(%arg0: i32, %arg1: i32, %arg2: memref<32x2x128xi32, #tpu.memory_space<hbm>>, %arg3: memref<4096x384xi32, #tpu.memory_space<hbm>>, %arg4: memref<9216x384xi32, #tpu.memory_space<hbm>>, %arg5: memref<2x128xi32, #tpu.memory_space<vmem>>, %arg6: memref<128x384xi32, #tpu.memory_space<vmem>>, %arg7: memref<128x384xi32, #tpu.memory_space<vmem>>, %arg8: memref<!tpu.dma_semaphore, #tpu.memory_space<semaphore_mem>>, %arg9: memref<!tpu.dma_semaphore, #tpu.memory_space<semaphore_mem>>) attributes {dimension_semantics = [#tpu.dimension_semantics<core_parallel>, #tpu.dimension_semantics<subcore_parallel>], iteration_bounds = array<i64: 2, 16>, scalar_prefetch = 0 : i64, scratch_operands = 5 : i64, tpu.core_type = #tpu.core_type<sc_vector_subcore>, window_params = [{transform_indices = #map}, {transform_indices = #map1}, {transform_indices = #map1}]} {
    %mul3A = arith.constant 2 : i32
    %mul3A_0 = arith.muli %arg1, %mul3A : i32
    %add3A = arith.addi %mul3A_0, %arg0 : i32
    %mul3A_1 = arith.constant 256 : i32
    %mul3A_2 = arith.muli %add3A, %mul3A_1 : i32
    %rem3A = arith.constant 4096 : i32
    %rem3A_3 = arith.remsi %mul3A_2, %rem3A : i32
    "tpu.region"() ({
      %run_scoped3A = tpu.sem_alloc : memref<!tpu.dma_semaphore, #tpu.memory_space<semaphore_mem>>
      %dma_start3A_32 = arith.constant 0 : i32
      %dma_start3A_33 = arith.constant 0 : i32
      %dma_start3A_34 = tpu.memref_slice %arg2[%add3A, %dma_start3A_32, %dma_start3A_33] : memref<32x2x128xi32, #tpu.memory_space<hbm>> -> memref<1x2x128xi32, #tpu.memory_space<hbm>>
      %dma_start3A_35 = tpu.memref_squeeze %dma_start3A_34 : memref<1x2x128xi32, #tpu.memory_space<hbm>> -> memref<2x128xi32, #tpu.memory_space<hbm>>
      %dma_start3A_36 = arith.constant 0 : i32
      %dma_start3A_37 = arith.constant 0 : i32
      %dma_start3A_38 = tpu.memref_slice %arg2[%add3A, %dma_start3A_36, %dma_start3A_37] : memref<32x2x128xi32, #tpu.memory_space<hbm>> -> memref<1x2x128xi32, #tpu.memory_space<hbm>>
      %dma_start3A_39 = tpu.memref_squeeze %dma_start3A_38 : memref<1x2x128xi32, #tpu.memory_space<hbm>> -> memref<2x128xi32, #tpu.memory_space<hbm>>
      tpu.enqueue_dma source(%dma_start3A_39 : memref<2x128xi32, #tpu.memory_space<hbm>>) target(%arg5 : memref<2x128xi32, #tpu.memory_space<vmem>>) target_semaphore(%run_scoped3A : memref<!tpu.dma_semaphore, #tpu.memory_space<semaphore_mem>>)
      %dma_wait3A_40 = arith.constant 0 : i32
      %dma_wait3A_41 = arith.constant 0 : i32
      %dma_wait3A_42 = tpu.memref_slice %arg2[%add3A, %dma_wait3A_40, %dma_wait3A_41] : memref<32x2x128xi32, #tpu.memory_space<hbm>> -> memref<1x2x128xi32, #tpu.memory_space<hbm>>
      %dma_wait3A_43 = tpu.memref_squeeze %dma_wait3A_42 : memref<1x2x128xi32, #tpu.memory_space<hbm>> -> memref<2x128xi32, #tpu.memory_space<hbm>>
      %dma_wait3A_44 = arith.constant 0 : i32
      %dma_wait3A_45 = arith.constant 0 : i32
      %dma_wait3A_46 = tpu.memref_slice %arg2[%add3A, %dma_wait3A_44, %dma_wait3A_45] : memref<32x2x128xi32, #tpu.memory_space<hbm>> -> memref<1x2x128xi32, #tpu.memory_space<hbm>>
      %dma_wait3A_47 = tpu.memref_squeeze %dma_wait3A_46 : memref<1x2x128xi32, #tpu.memory_space<hbm>> -> memref<2x128xi32, #tpu.memory_space<hbm>>
      tpu.wait_dma2 semaphore(%run_scoped3A : memref<!tpu.dma_semaphore, #tpu.memory_space<semaphore_mem>>) src(%dma_wait3A_47 : memref<2x128xi32, #tpu.memory_space<hbm>>) dst(%arg5 : memref<2x128xi32, #tpu.memory_space<vmem>>)
      tpu.yield
    }) : () -> ()
    "tpu.region"() ({
      %run_scoped3A = tpu.sem_alloc : memref<!tpu.dma_semaphore, #tpu.memory_space<semaphore_mem>>
      %dma_start3A_32 = arith.constant 0 : i32
      %dma_start3A_33 = tpu.memref_slice %arg3[%rem3A_3, %dma_start3A_32] : memref<4096x384xi32, #tpu.memory_space<hbm>> -> memref<128x384xi32, #tpu.memory_space<hbm>>
      %dma_start3A_34 = arith.constant 0 : i32
      %dma_start3A_35 = tpu.memref_slice %arg3[%rem3A_3, %dma_start3A_34] : memref<4096x384xi32, #tpu.memory_space<hbm>> -> memref<128x384xi32, #tpu.memory_space<hbm>>
      tpu.enqueue_dma source(%dma_start3A_35 : memref<128x384xi32, #tpu.memory_space<hbm>>) target(%arg6 : memref<128x384xi32, #tpu.memory_space<vmem>>) target_semaphore(%run_scoped3A : memref<!tpu.dma_semaphore, #tpu.memory_space<semaphore_mem>>)
      %dma_wait3A_36 = arith.constant 0 : i32
      %dma_wait3A_37 = tpu.memref_slice %arg3[%rem3A_3, %dma_wait3A_36] : memref<4096x384xi32, #tpu.memory_space<hbm>> -> memref<128x384xi32, #tpu.memory_space<hbm>>
      %dma_wait3A_38 = arith.constant 0 : i32
      %dma_wait3A_39 = tpu.memref_slice %arg3[%rem3A_3, %dma_wait3A_38] : memref<4096x384xi32, #tpu.memory_space<hbm>> -> memref<128x384xi32, #tpu.memory_space<hbm>>
      tpu.wait_dma2 semaphore(%run_scoped3A : memref<!tpu.dma_semaphore, #tpu.memory_space<semaphore_mem>>) src(%dma_wait3A_39 : memref<128x384xi32, #tpu.memory_space<hbm>>) dst(%arg6 : memref<128x384xi32, #tpu.memory_space<vmem>>)
      tpu.yield
    }) : () -> ()
    %dma_start3A = arith.constant 0 : i32
    %dma_start3A_4 = arith.constant 0 : i32
    %dma_start3A_5 = tpu.memref_slice %arg5[%dma_start3A, %dma_start3A_4] : memref<2x128xi32, #tpu.memory_space<vmem>> -> memref<1x128xi32, #tpu.memory_space<vmem>>
    %dma_start3A_6 = tpu.memref_squeeze %dma_start3A_5 : memref<1x128xi32, #tpu.memory_space<vmem>> -> memref<128xi32, #tpu.memory_space<vmem>>
    %dma_start3A_7 = arith.constant 0 : i32
    %dma_start3A_8 = arith.constant 0 : i32
    %dma_start3A_9 = tpu.memref_slice %arg4[%dma_start3A_7, %dma_start3A_8] : memref<9216x384xi32, #tpu.memory_space<hbm>> -> memref<9216x384xi32, #tpu.memory_space<hbm>>
    tpu.enqueue_indirect_dma source(%arg6 : memref<128x384xi32, #tpu.memory_space<vmem>>) target(%dma_start3A_9 : memref<9216x384xi32, #tpu.memory_space<hbm>>) offsets(%dma_start3A_6 : memref<128xi32, #tpu.memory_space<vmem>>) semaphore(%arg8 : memref<!tpu.dma_semaphore, #tpu.memory_space<semaphore_mem>>)
    %add3A_10 = arith.constant 128 : i32
    %add3A_11 = arith.addi %rem3A_3, %add3A_10 : i32
    "tpu.region"() ({
      %run_scoped3A = tpu.sem_alloc : memref<!tpu.dma_semaphore, #tpu.memory_space<semaphore_mem>>
      %dma_start3A_32 = arith.constant 0 : i32
      %dma_start3A_33 = tpu.memref_slice %arg3[%add3A_11, %dma_start3A_32] : memref<4096x384xi32, #tpu.memory_space<hbm>> -> memref<128x384xi32, #tpu.memory_space<hbm>>
      %dma_start3A_34 = arith.constant 0 : i32
      %dma_start3A_35 = tpu.memref_slice %arg3[%add3A_11, %dma_start3A_34] : memref<4096x384xi32, #tpu.memory_space<hbm>> -> memref<128x384xi32, #tpu.memory_space<hbm>>
      tpu.enqueue_dma source(%dma_start3A_35 : memref<128x384xi32, #tpu.memory_space<hbm>>) target(%arg7 : memref<128x384xi32, #tpu.memory_space<vmem>>) target_semaphore(%run_scoped3A : memref<!tpu.dma_semaphore, #tpu.memory_space<semaphore_mem>>)
      %dma_wait3A_36 = arith.constant 0 : i32
      %dma_wait3A_37 = tpu.memref_slice %arg3[%add3A_11, %dma_wait3A_36] : memref<4096x384xi32, #tpu.memory_space<hbm>> -> memref<128x384xi32, #tpu.memory_space<hbm>>
      %dma_wait3A_38 = arith.constant 0 : i32
      %dma_wait3A_39 = tpu.memref_slice %arg3[%add3A_11, %dma_wait3A_38] : memref<4096x384xi32, #tpu.memory_space<hbm>> -> memref<128x384xi32, #tpu.memory_space<hbm>>
      tpu.wait_dma2 semaphore(%run_scoped3A : memref<!tpu.dma_semaphore, #tpu.memory_space<semaphore_mem>>) src(%dma_wait3A_39 : memref<128x384xi32, #tpu.memory_space<hbm>>) dst(%arg7 : memref<128x384xi32, #tpu.memory_space<vmem>>)
      tpu.yield
    }) : () -> ()
    %dma_start3A_12 = arith.constant 1 : i32
    %dma_start3A_13 = arith.constant 0 : i32
    %dma_start3A_14 = tpu.memref_slice %arg5[%dma_start3A_12, %dma_start3A_13] : memref<2x128xi32, #tpu.memory_space<vmem>> -> memref<1x128xi32, #tpu.memory_space<vmem>>
    %dma_start3A_15 = tpu.memref_squeeze %dma_start3A_14 : memref<1x128xi32, #tpu.memory_space<vmem>> -> memref<128xi32, #tpu.memory_space<vmem>>
    %dma_start3A_16 = arith.constant 0 : i32
    %dma_start3A_17 = arith.constant 0 : i32
    %dma_start3A_18 = tpu.memref_slice %arg4[%dma_start3A_16, %dma_start3A_17] : memref<9216x384xi32, #tpu.memory_space<hbm>> -> memref<9216x384xi32, #tpu.memory_space<hbm>>
    tpu.enqueue_indirect_dma source(%arg7 : memref<128x384xi32, #tpu.memory_space<vmem>>) target(%dma_start3A_18 : memref<9216x384xi32, #tpu.memory_space<hbm>>) offsets(%dma_start3A_15 : memref<128xi32, #tpu.memory_space<vmem>>) semaphore(%arg9 : memref<!tpu.dma_semaphore, #tpu.memory_space<semaphore_mem>>)
    %dma_wait3A = arith.constant 0 : i32
    %dma_wait3A_19 = arith.constant 0 : i32
    %dma_wait3A_20 = tpu.memref_slice %arg5[%dma_wait3A, %dma_wait3A_19] : memref<2x128xi32, #tpu.memory_space<vmem>> -> memref<1x128xi32, #tpu.memory_space<vmem>>
    %dma_wait3A_21 = tpu.memref_squeeze %dma_wait3A_20 : memref<1x128xi32, #tpu.memory_space<vmem>> -> memref<128xi32, #tpu.memory_space<vmem>>
    %dma_wait3A_22 = arith.constant 0 : i32
    %dma_wait3A_23 = arith.constant 0 : i32
    %dma_wait3A_24 = tpu.memref_slice %arg4[%dma_wait3A_22, %dma_wait3A_23] : memref<9216x384xi32, #tpu.memory_space<hbm>> -> memref<9216x384xi32, #tpu.memory_space<hbm>>
    tpu.wait_indirect_dma semaphore(%arg8 : memref<!tpu.dma_semaphore, #tpu.memory_space<semaphore_mem>>) src(%arg6 : memref<128x384xi32, #tpu.memory_space<vmem>>) dst(%dma_wait3A_24 : memref<9216x384xi32, #tpu.memory_space<hbm>>)
    %dma_wait3A_25 = arith.constant 1 : i32
    %dma_wait3A_26 = arith.constant 0 : i32
    %dma_wait3A_27 = tpu.memref_slice %arg5[%dma_wait3A_25, %dma_wait3A_26] : memref<2x128xi32, #tpu.memory_space<vmem>> -> memref<1x128xi32, #tpu.memory_space<vmem>>
    %dma_wait3A_28 = tpu.memref_squeeze %dma_wait3A_27 : memref<1x128xi32, #tpu.memory_space<vmem>> -> memref<128xi32, #tpu.memory_space<vmem>>
    %dma_wait3A_29 = arith.constant 0 : i32
    %dma_wait3A_30 = arith.constant 0 : i32
    %dma_wait3A_31 = tpu.memref_slice %arg4[%dma_wait3A_29, %dma_wait3A_30] : memref<9216x384xi32, #tpu.memory_space<hbm>> -> memref<9216x384xi32, #tpu.memory_space<hbm>>
    tpu.wait_indirect_dma semaphore(%arg9 : memref<!tpu.dma_semaphore, #tpu.memory_space<semaphore_mem>>) src(%arg7 : memref<128x384xi32, #tpu.memory_space<vmem>>) dst(%dma_wait3A_31 : memref<9216x384xi32, #tpu.memory_space<hbm>>)
    return
  }
}

module attributes {stable_mosaic.version = 14 : i64} {
  func.func @_router_body(%arg0: memref<4096x8xf32, #tpu.memory_space<vmem>>, %arg1: memref<8192x1xi32, #tpu.memory_space<vmem>>, %arg2: memref<8192x1xf32, #tpu.memory_space<vmem>>, %arg3: memref<72x1xi32, #tpu.memory_space<vmem>>, %arg4: memref<1x1xf32, #tpu.memory_space<smem>>) attributes {dimension_semantics = [], scalar_prefetch = 0 : i64, scratch_operands = 0 : i64, tpu.core_type = #tpu.core_type<tc>} {
    %get3A = arith.constant 0 : index
    %get3A_0 = arith.constant 0 : index
    %get3A_1 = vector.load %arg0[%get3A, %get3A_0] : memref<4096x8xf32, #tpu.memory_space<vmem>>, vector<4096x8xf32>
    %reduce_max3A = arith.constant dense<0xFF800000> : vector<4096xf32>
    %reduce_max3A_2 = vector.multi_reduction <maximumf>, %get3A_1, %reduce_max3A [1] : vector<4096x8xf32> to vector<4096xf32>
    %broadcast_in_dim3A = vector.shape_cast %reduce_max3A_2 : vector<4096xf32> to vector<4096x1xf32>
    %sub3A = vector.broadcast %broadcast_in_dim3A : vector<4096x1xf32> to vector<4096x8xf32>
    %sub3A_3 = arith.subf %get3A_1, %sub3A : vector<4096x8xf32>
    %exp3A = math.exp %sub3A_3 : vector<4096x8xf32>
    %reduce_sum3A = arith.constant dense<0.000000e+00> : vector<4096xf32>
    %reduce_sum3A_4 = vector.multi_reduction <add>, %exp3A, %reduce_sum3A [1] : vector<4096x8xf32> to vector<4096xf32>
    %broadcast_in_dim3A_5 = vector.shape_cast %reduce_sum3A_4 : vector<4096xf32> to vector<4096x1xf32>
    %div3A = vector.broadcast %broadcast_in_dim3A_5 : vector<4096x1xf32> to vector<4096x8xf32>
    %div3A_6 = arith.divf %exp3A, %div3A : vector<4096x8xf32>
    %iota3A = tpu.iota {dimensions = array<i32: 1>} : vector<4096x8xi32>
    %reduce_max3A_7 = arith.constant dense<0xFF800000> : vector<4096xf32>
    %reduce_max3A_8 = vector.multi_reduction <maximumf>, %div3A_6, %reduce_max3A_7 [1] : vector<4096x8xf32> to vector<4096xf32>
    %broadcast_in_dim3A_9 = vector.shape_cast %reduce_max3A_8 : vector<4096xf32> to vector<4096x1xf32>
    %eq3A = vector.broadcast %broadcast_in_dim3A_9 : vector<4096x1xf32> to vector<4096x8xf32>
    %eq3A_10 = arith.cmpf oeq, %div3A_6, %eq3A : vector<4096x8xf32>
    %jit3A = arith.constant 8 : i32
    %broadcast_in_dim3A_11 = vector.broadcast %jit3A : i32 to vector<4096x8xi32>
    %select_n3A = arith.select %eq3A_10, %iota3A, %broadcast_in_dim3A_11 : vector<4096x8xi1>, vector<4096x8xi32>
    %reduce_min3A = arith.constant dense<2147483647> : vector<4096xi32>
    %reduce_min3A_12 = vector.multi_reduction <minsi>, %select_n3A, %reduce_min3A [1] : vector<4096x8xi32> to vector<4096xi32>
    %broadcast_in_dim3A_13 = vector.shape_cast %reduce_min3A_12 : vector<4096xi32> to vector<4096x1xi32>
    %eq3A_14 = vector.broadcast %broadcast_in_dim3A_13 : vector<4096x1xi32> to vector<4096x8xi32>
    %eq3A_15 = arith.cmpi eq, %iota3A, %eq3A_14 : vector<4096x8xi32>
    %jit3A_16 = arith.constant 0xFF800000 : f32
    %broadcast_in_dim3A_17 = vector.broadcast %jit3A_16 : f32 to vector<4096x8xf32>
    %select_n3A_18 = arith.select %eq3A_15, %broadcast_in_dim3A_17, %div3A_6 : vector<4096x8xi1>, vector<4096x8xf32>
    %reduce_max3A_19 = arith.constant dense<0xFF800000> : vector<4096xf32>
    %reduce_max3A_20 = vector.multi_reduction <maximumf>, %select_n3A_18, %reduce_max3A_19 [1] : vector<4096x8xf32> to vector<4096xf32>
    %broadcast_in_dim3A_21 = vector.shape_cast %reduce_max3A_20 : vector<4096xf32> to vector<4096x1xf32>
    %eq3A_22 = vector.broadcast %broadcast_in_dim3A_21 : vector<4096x1xf32> to vector<4096x8xf32>
    %eq3A_23 = arith.cmpf oeq, %select_n3A_18, %eq3A_22 : vector<4096x8xf32>
    %jit3A_24 = arith.constant 8 : i32
    %broadcast_in_dim3A_25 = vector.broadcast %jit3A_24 : i32 to vector<4096x8xi32>
    %select_n3A_26 = arith.select %eq3A_23, %iota3A, %broadcast_in_dim3A_25 : vector<4096x8xi1>, vector<4096x8xi32>
    %reduce_min3A_27 = arith.constant dense<2147483647> : vector<4096xi32>
    %reduce_min3A_28 = vector.multi_reduction <minsi>, %select_n3A_26, %reduce_min3A_27 [1] : vector<4096x8xi32> to vector<4096xi32>
    %broadcast_in_dim3A_29 = vector.shape_cast %reduce_min3A_28 : vector<4096xi32> to vector<4096x1xi32>
    %add3A = arith.addf %broadcast_in_dim3A_9, %broadcast_in_dim3A_21 : vector<4096x1xf32>
    %eq3A_30 = vector.broadcast %broadcast_in_dim3A_13 : vector<4096x1xi32> to vector<4096x8xi32>
    %eq3A_31 = arith.cmpi eq, %iota3A, %eq3A_30 : vector<4096x8xi32>
    %convert_element_type3A = arith.extui %eq3A_31 : vector<4096x8xi1> to vector<4096x8xi32>
    %convert_element_type3A_32 = arith.sitofp %convert_element_type3A : vector<4096x8xi32> to vector<4096x8xf32>
    %eq3A_33 = vector.broadcast %broadcast_in_dim3A_29 : vector<4096x1xi32> to vector<4096x8xi32>
    %eq3A_34 = arith.cmpi eq, %iota3A, %eq3A_33 : vector<4096x8xi32>
    %convert_element_type3A_35 = arith.extui %eq3A_34 : vector<4096x8xi1> to vector<4096x8xi32>
    %convert_element_type3A_36 = arith.sitofp %convert_element_type3A_35 : vector<4096x8xi32> to vector<4096x8xf32>
    %reduce_sum3A_37 = arith.constant dense<0.000000e+00> : vector<8xf32>
    %reduce_sum3A_38 = vector.multi_reduction <add>, %div3A_6, %reduce_sum3A_37 [0] : vector<4096x8xf32> to vector<8xf32>
    %broadcast_in_dim3A_39 = vector.shape_cast %reduce_sum3A_38 : vector<8xf32> to vector<1x8xf32>
    %div3A_40 = arith.constant 4.096000e+03 : f32
    %div3A_41 = vector.broadcast %div3A_40 : f32 to vector<1x8xf32>
    %div3A_42 = arith.divf %broadcast_in_dim3A_39, %div3A_41 : vector<1x8xf32>
    %add3A_43 = arith.addf %convert_element_type3A_32, %convert_element_type3A_36 : vector<4096x8xf32>
    %reduce_sum3A_44 = arith.constant dense<0.000000e+00> : vector<8xf32>
    %reduce_sum3A_45 = vector.multi_reduction <add>, %add3A_43, %reduce_sum3A_44 [0] : vector<4096x8xf32> to vector<8xf32>
    %broadcast_in_dim3A_46 = vector.shape_cast %reduce_sum3A_45 : vector<8xf32> to vector<1x8xf32>
    %div3A_47 = arith.constant 4.096000e+03 : f32
    %div3A_48 = vector.broadcast %div3A_47 : f32 to vector<1x8xf32>
    %div3A_49 = arith.divf %broadcast_in_dim3A_46, %div3A_48 : vector<1x8xf32>
    %div3A_50 = arith.constant 2.000000e+00 : f32
    %div3A_51 = vector.broadcast %div3A_50 : f32 to vector<1x8xf32>
    %div3A_52 = arith.divf %div3A_49, %div3A_51 : vector<1x8xf32>
    %mul3A = arith.mulf %div3A_42, %div3A_52 : vector<1x8xf32>
    %reduce_sum3A_53 = vector.shape_cast %mul3A : vector<1x8xf32> to vector<1x1x8xf32>
    %reduce_sum3A_54 = arith.constant dense<0.000000e+00> : vector<1xf32>
    %reduce_sum3A_55 = vector.multi_reduction <add>, %reduce_sum3A_53, %reduce_sum3A_54 [1, 2] : vector<1x1x8xf32> to vector<1xf32>
    %reduce_sum3A_56 = vector.shape_cast %reduce_sum3A_55 : vector<1xf32> to vector<1x1x1xf32>
    %reduce_sum3A_57 = vector.extract %reduce_sum3A_56[0, 0, 0] : f32 from vector<1x1x1xf32>
    %mul3A_58 = arith.constant 8.000000e+00 : f32
    %mul3A_59 = arith.mulf %mul3A_58, %reduce_sum3A_57 : f32
    %log3A = math.log %broadcast_in_dim3A_5 : vector<4096x1xf32>
    %add3A_60 = arith.addf %broadcast_in_dim3A, %log3A : vector<4096x1xf32>
    %mul3A_61 = arith.mulf %add3A_60, %add3A_60 : vector<4096x1xf32>
    %reduce_sum3A_62 = vector.shape_cast %mul3A_61 : vector<4096x1xf32> to vector<1x4096x1xf32>
    %reduce_sum3A_63 = arith.constant dense<0.000000e+00> : vector<1xf32>
    %reduce_sum3A_64 = vector.multi_reduction <add>, %reduce_sum3A_62, %reduce_sum3A_63 [1, 2] : vector<1x4096x1xf32> to vector<1xf32>
    %reduce_sum3A_65 = vector.shape_cast %reduce_sum3A_64 : vector<1xf32> to vector<1x1x1xf32>
    %reduce_sum3A_66 = vector.extract %reduce_sum3A_65[0, 0, 0] : f32 from vector<1x1x1xf32>
    %div3A_67 = arith.constant 4.096000e+03 : f32
    %div3A_68 = arith.divf %reduce_sum3A_66, %div3A_67 : f32
    %mul3A_69 = arith.constant 0.00999999977 : f32
    %mul3A_70 = arith.mulf %mul3A_69, %mul3A_59 : f32
    %mul3A_71 = arith.constant 0.00999999977 : f32
    %mul3A_72 = arith.mulf %mul3A_71, %div3A_68 : f32
    %add3A_73 = arith.addf %mul3A_70, %mul3A_72 : f32
    %swap3A = arith.constant 0 : index
    %swap3A_74 = arith.constant 0 : index
    %swap3A_75 = memref.load %arg4[%swap3A, %swap3A_74] : memref<1x1xf32, #tpu.memory_space<smem>>
    memref.store %add3A_73, %arg4[%swap3A, %swap3A_74] : memref<1x1xf32, #tpu.memory_space<smem>>
    %add3A_76 = arith.addf %convert_element_type3A_32, %convert_element_type3A_36 : vector<4096x8xf32>
    %broadcast_in_dim3A_77 = arith.constant 0.000000e+00 : f32
    %broadcast_in_dim3A_78 = vector.broadcast %broadcast_in_dim3A_77 : f32 to vector<1x8xf32>
    %slice3A = vector.extract_strided_slice %add3A_76 {offsets = [0, 0], sizes = [4095, 8], strides = [1, 1]} : vector<4096x8xf32> to vector<4095x8xf32>
    %concatenate3A = tpu.concatenate %broadcast_in_dim3A_78, %slice3A in 0 : vector<1x8xf32>, vector<4095x8xf32> -> vector<4096x8xf32>
    %add3A_79 = arith.addf %add3A_76, %concatenate3A : vector<4096x8xf32>
    %broadcast_in_dim3A_80 = arith.constant 0.000000e+00 : f32
    %broadcast_in_dim3A_81 = vector.broadcast %broadcast_in_dim3A_80 : f32 to vector<2x8xf32>
    %slice3A_82 = vector.extract_strided_slice %add3A_79 {offsets = [0, 0], sizes = [4094, 8], strides = [1, 1]} : vector<4096x8xf32> to vector<4094x8xf32>
    %concatenate3A_83 = tpu.concatenate %broadcast_in_dim3A_81, %slice3A_82 in 0 : vector<2x8xf32>, vector<4094x8xf32> -> vector<4096x8xf32>
    %add3A_84 = arith.addf %add3A_79, %concatenate3A_83 : vector<4096x8xf32>
    %broadcast_in_dim3A_85 = arith.constant 0.000000e+00 : f32
    %broadcast_in_dim3A_86 = vector.broadcast %broadcast_in_dim3A_85 : f32 to vector<4x8xf32>
    %slice3A_87 = vector.extract_strided_slice %add3A_84 {offsets = [0, 0], sizes = [4092, 8], strides = [1, 1]} : vector<4096x8xf32> to vector<4092x8xf32>
    %concatenate3A_88 = tpu.concatenate %broadcast_in_dim3A_86, %slice3A_87 in 0 : vector<4x8xf32>, vector<4092x8xf32> -> vector<4096x8xf32>
    %add3A_89 = arith.addf %add3A_84, %concatenate3A_88 : vector<4096x8xf32>
    %broadcast_in_dim3A_90 = arith.constant 0.000000e+00 : f32
    %broadcast_in_dim3A_91 = vector.broadcast %broadcast_in_dim3A_90 : f32 to vector<8x8xf32>
    %slice3A_92 = vector.extract_strided_slice %add3A_89 {offsets = [0, 0], sizes = [4088, 8], strides = [1, 1]} : vector<4096x8xf32> to vector<4088x8xf32>
    %concatenate3A_93 = tpu.concatenate %broadcast_in_dim3A_91, %slice3A_92 in 0 : vector<8x8xf32>, vector<4088x8xf32> -> vector<4096x8xf32>
    %add3A_94 = arith.addf %add3A_89, %concatenate3A_93 : vector<4096x8xf32>
    %broadcast_in_dim3A_95 = arith.constant 0.000000e+00 : f32
    %broadcast_in_dim3A_96 = vector.broadcast %broadcast_in_dim3A_95 : f32 to vector<16x8xf32>
    %slice3A_97 = vector.extract_strided_slice %add3A_94 {offsets = [0, 0], sizes = [4080, 8], strides = [1, 1]} : vector<4096x8xf32> to vector<4080x8xf32>
    %concatenate3A_98 = tpu.concatenate %broadcast_in_dim3A_96, %slice3A_97 in 0 : vector<16x8xf32>, vector<4080x8xf32> -> vector<4096x8xf32>
    %add3A_99 = arith.addf %add3A_94, %concatenate3A_98 : vector<4096x8xf32>
    %broadcast_in_dim3A_100 = arith.constant 0.000000e+00 : f32
    %broadcast_in_dim3A_101 = vector.broadcast %broadcast_in_dim3A_100 : f32 to vector<32x8xf32>
    %slice3A_102 = vector.extract_strided_slice %add3A_99 {offsets = [0, 0], sizes = [4064, 8], strides = [1, 1]} : vector<4096x8xf32> to vector<4064x8xf32>
    %concatenate3A_103 = tpu.concatenate %broadcast_in_dim3A_101, %slice3A_102 in 0 : vector<32x8xf32>, vector<4064x8xf32> -> vector<4096x8xf32>
    %add3A_104 = arith.addf %add3A_99, %concatenate3A_103 : vector<4096x8xf32>
    %broadcast_in_dim3A_105 = arith.constant 0.000000e+00 : f32
    %broadcast_in_dim3A_106 = vector.broadcast %broadcast_in_dim3A_105 : f32 to vector<64x8xf32>
    %slice3A_107 = vector.extract_strided_slice %add3A_104 {offsets = [0, 0], sizes = [4032, 8], strides = [1, 1]} : vector<4096x8xf32> to vector<4032x8xf32>
    %concatenate3A_108 = tpu.concatenate %broadcast_in_dim3A_106, %slice3A_107 in 0 : vector<64x8xf32>, vector<4032x8xf32> -> vector<4096x8xf32>
    %add3A_109 = arith.addf %add3A_104, %concatenate3A_108 : vector<4096x8xf32>
    %broadcast_in_dim3A_110 = arith.constant 0.000000e+00 : f32
    %broadcast_in_dim3A_111 = vector.broadcast %broadcast_in_dim3A_110 : f32 to vector<128x8xf32>
    %slice3A_112 = vector.extract_strided_slice %add3A_109 {offsets = [0, 0], sizes = [3968, 8], strides = [1, 1]} : vector<4096x8xf32> to vector<3968x8xf32>
    %concatenate3A_113 = tpu.concatenate %broadcast_in_dim3A_111, %slice3A_112 in 0 : vector<128x8xf32>, vector<3968x8xf32> -> vector<4096x8xf32>
    %add3A_114 = arith.addf %add3A_109, %concatenate3A_113 : vector<4096x8xf32>
    %broadcast_in_dim3A_115 = arith.constant 0.000000e+00 : f32
    %broadcast_in_dim3A_116 = vector.broadcast %broadcast_in_dim3A_115 : f32 to vector<256x8xf32>
    %slice3A_117 = vector.extract_strided_slice %add3A_114 {offsets = [0, 0], sizes = [3840, 8], strides = [1, 1]} : vector<4096x8xf32> to vector<3840x8xf32>
    %concatenate3A_118 = tpu.concatenate %broadcast_in_dim3A_116, %slice3A_117 in 0 : vector<256x8xf32>, vector<3840x8xf32> -> vector<4096x8xf32>
    %add3A_119 = arith.addf %add3A_114, %concatenate3A_118 : vector<4096x8xf32>
    %broadcast_in_dim3A_120 = arith.constant 0.000000e+00 : f32
    %broadcast_in_dim3A_121 = vector.broadcast %broadcast_in_dim3A_120 : f32 to vector<512x8xf32>
    %slice3A_122 = vector.extract_strided_slice %add3A_119 {offsets = [0, 0], sizes = [3584, 8], strides = [1, 1]} : vector<4096x8xf32> to vector<3584x8xf32>
    %concatenate3A_123 = tpu.concatenate %broadcast_in_dim3A_121, %slice3A_122 in 0 : vector<512x8xf32>, vector<3584x8xf32> -> vector<4096x8xf32>
    %add3A_124 = arith.addf %add3A_119, %concatenate3A_123 : vector<4096x8xf32>
    %broadcast_in_dim3A_125 = arith.constant 0.000000e+00 : f32
    %broadcast_in_dim3A_126 = vector.broadcast %broadcast_in_dim3A_125 : f32 to vector<1024x8xf32>
    %slice3A_127 = vector.extract_strided_slice %add3A_124 {offsets = [0, 0], sizes = [3072, 8], strides = [1, 1]} : vector<4096x8xf32> to vector<3072x8xf32>
    %concatenate3A_128 = tpu.concatenate %broadcast_in_dim3A_126, %slice3A_127 in 0 : vector<1024x8xf32>, vector<3072x8xf32> -> vector<4096x8xf32>
    %add3A_129 = arith.addf %add3A_124, %concatenate3A_128 : vector<4096x8xf32>
    %broadcast_in_dim3A_130 = arith.constant 0.000000e+00 : f32
    %broadcast_in_dim3A_131 = vector.broadcast %broadcast_in_dim3A_130 : f32 to vector<2048x8xf32>
    %slice3A_132 = vector.extract_strided_slice %add3A_129 {offsets = [0, 0], sizes = [2048, 8], strides = [1, 1]} : vector<4096x8xf32> to vector<2048x8xf32>
    %concatenate3A_133 = tpu.concatenate %broadcast_in_dim3A_131, %slice3A_132 in 0 : vector<2048x8xf32>, vector<2048x8xf32> -> vector<4096x8xf32>
    %add3A_134 = arith.addf %add3A_129, %concatenate3A_133 : vector<4096x8xf32>
    %sub3A_135 = arith.subf %add3A_134, %add3A_76 : vector<4096x8xf32>
    %convert_element_type3A_136 = arith.fptosi %sub3A_135 : vector<4096x8xf32> to vector<4096x8xi32>
    %slice3A_137 = vector.extract_strided_slice %add3A_134 {offsets = [4095, 0], sizes = [1, 8], strides = [1, 1]} : vector<4096x8xf32> to vector<1x8xf32>
    %convert_element_type3A_138 = arith.fptosi %slice3A_137 : vector<1x8xf32> to vector<1x8xi32>
    %add3A_139 = arith.constant 127 : i32
    %add3A_140 = vector.broadcast %add3A_139 : i32 to vector<1x8xi32>
    %add3A_141 = arith.addi %convert_element_type3A_138, %add3A_140 : vector<1x8xi32>
    %jit3A_142 = arith.constant 128 : i32
    %div3A_143 = vector.broadcast %jit3A_142 : i32 to vector<1x8xi32>
    %div3A_144 = arith.divsi %add3A_141, %div3A_143 : vector<1x8xi32>
    %sign3A = arith.constant 0 : i32
    %sign3A_145 = vector.broadcast %sign3A : i32 to vector<1x8xi32>
    %sign3A_146 = arith.cmpi sgt, %add3A_141, %sign3A_145 : vector<1x8xi32>
    %sign3A_147 = arith.extui %sign3A_146 : vector<1x8xi1> to vector<1x8xi32>
    %sign3A_148 = arith.constant 0 : i32
    %sign3A_149 = vector.broadcast %sign3A_148 : i32 to vector<1x8xi32>
    %sign3A_150 = arith.cmpi slt, %add3A_141, %sign3A_149 : vector<1x8xi32>
    %sign3A_151 = arith.extui %sign3A_150 : vector<1x8xi1> to vector<1x8xi32>
    %sign3A_152 = arith.subi %sign3A_147, %sign3A_151 : vector<1x8xi32>
    %sign3A_153 = arith.constant 0 : i32
    %sign3A_154 = arith.cmpi sgt, %jit3A_142, %sign3A_153 : i32
    %sign3A_155 = arith.extui %sign3A_154 : i1 to i32
    %sign3A_156 = arith.constant 0 : i32
    %sign3A_157 = arith.cmpi slt, %jit3A_142, %sign3A_156 : i32
    %sign3A_158 = arith.extui %sign3A_157 : i1 to i32
    %sign3A_159 = arith.subi %sign3A_155, %sign3A_158 : i32
    %ne3A = vector.broadcast %sign3A_159 : i32 to vector<1x8xi32>
    %ne3A_160 = arith.cmpi ne, %sign3A_152, %ne3A : vector<1x8xi32>
    %rem3A = vector.broadcast %jit3A_142 : i32 to vector<1x8xi32>
    %rem3A_161 = arith.remsi %add3A_141, %rem3A : vector<1x8xi32>
    %ne3A_162 = arith.constant 0 : i32
    %ne3A_163 = vector.broadcast %ne3A_162 : i32 to vector<1x8xi32>
    %ne3A_164 = arith.cmpi ne, %rem3A_161, %ne3A_163 : vector<1x8xi32>
    %and3A = arith.andi %ne3A_160, %ne3A_164 : vector<1x8xi1>
    %sub3A_165 = arith.constant 1 : i32
    %sub3A_166 = vector.broadcast %sub3A_165 : i32 to vector<1x8xi32>
    %sub3A_167 = arith.subi %div3A_144, %sub3A_166 : vector<1x8xi32>
    %select_n3A_168 = arith.select %and3A, %sub3A_167, %div3A_144 : vector<1x8xi1>, vector<1x8xi32>
    %mul3A_169 = arith.constant 128 : i32
    %mul3A_170 = vector.broadcast %mul3A_169 : i32 to vector<1x8xi32>
    %mul3A_171 = arith.muli %select_n3A_168, %mul3A_170 : vector<1x8xi32>
    %broadcast_in_dim3A_172 = arith.constant 0 : i32
    %broadcast_in_dim3A_173 = vector.broadcast %broadcast_in_dim3A_172 : i32 to vector<1x1xi32>
    %slice3A_174 = vector.extract_strided_slice %mul3A_171 {offsets = [0, 0], sizes = [1, 7], strides = [1, 1]} : vector<1x8xi32> to vector<1x7xi32>
    %concatenate3A_175 = tpu.concatenate %broadcast_in_dim3A_173, %slice3A_174 in 1 : vector<1x1xi32>, vector<1x7xi32> -> vector<1x8xi32>
    %add3A_176 = arith.addi %mul3A_171, %concatenate3A_175 : vector<1x8xi32>
    %broadcast_in_dim3A_177 = arith.constant 0 : i32
    %broadcast_in_dim3A_178 = vector.broadcast %broadcast_in_dim3A_177 : i32 to vector<1x2xi32>
    %slice3A_179 = vector.extract_strided_slice %add3A_176 {offsets = [0, 0], sizes = [1, 6], strides = [1, 1]} : vector<1x8xi32> to vector<1x6xi32>
    %concatenate3A_180 = tpu.concatenate %broadcast_in_dim3A_178, %slice3A_179 in 1 : vector<1x2xi32>, vector<1x6xi32> -> vector<1x8xi32>
    %add3A_181 = arith.addi %add3A_176, %concatenate3A_180 : vector<1x8xi32>
    %broadcast_in_dim3A_182 = arith.constant 0 : i32
    %broadcast_in_dim3A_183 = vector.broadcast %broadcast_in_dim3A_182 : i32 to vector<1x4xi32>
    %slice3A_184 = vector.extract_strided_slice %add3A_181 {offsets = [0, 0], sizes = [1, 4], strides = [1, 1]} : vector<1x8xi32> to vector<1x4xi32>
    %concatenate3A_185 = tpu.concatenate %broadcast_in_dim3A_183, %slice3A_184 in 1 : vector<1x4xi32>, vector<1x4xi32> -> vector<1x8xi32>
    %add3A_186 = arith.addi %add3A_181, %concatenate3A_185 : vector<1x8xi32>
    %sub3A_187 = arith.subi %add3A_186, %mul3A_171 : vector<1x8xi32>
    %eq3A_188 = vector.broadcast %broadcast_in_dim3A_13 : vector<4096x1xi32> to vector<4096x8xi32>
    %eq3A_189 = arith.cmpi eq, %iota3A, %eq3A_188 : vector<4096x8xi32>
    %jit3A_190 = arith.constant 0 : i32
    %broadcast_in_dim3A_191 = vector.broadcast %jit3A_190 : i32 to vector<4096x8xi32>
    %select_n3A_192 = arith.select %eq3A_189, %convert_element_type3A_136, %broadcast_in_dim3A_191 : vector<4096x8xi1>, vector<4096x8xi32>
    %reduce_sum3A_193 = arith.constant dense<0> : vector<4096xi32>
    %reduce_sum3A_194 = vector.multi_reduction <add>, %select_n3A_192, %reduce_sum3A_193 [1] : vector<4096x8xi32> to vector<4096xi32>
    %broadcast_in_dim3A_195 = vector.shape_cast %reduce_sum3A_194 : vector<4096xi32> to vector<4096x1xi32>
    %eq3A_196 = vector.broadcast %broadcast_in_dim3A_29 : vector<4096x1xi32> to vector<4096x8xi32>
    %eq3A_197 = arith.cmpi eq, %iota3A, %eq3A_196 : vector<4096x8xi32>
    %jit3A_198 = arith.constant 0 : i32
    %broadcast_in_dim3A_199 = vector.broadcast %jit3A_198 : i32 to vector<4096x8xi32>
    %select_n3A_200 = arith.select %eq3A_197, %convert_element_type3A_136, %broadcast_in_dim3A_199 : vector<4096x8xi1>, vector<4096x8xi32>
    %reduce_sum3A_201 = arith.constant dense<0> : vector<4096xi32>
    %reduce_sum3A_202 = vector.multi_reduction <add>, %select_n3A_200, %reduce_sum3A_201 [1] : vector<4096x8xi32> to vector<4096xi32>
    %broadcast_in_dim3A_203 = vector.shape_cast %reduce_sum3A_202 : vector<4096xi32> to vector<4096x1xi32>
    %eq3A_204 = vector.broadcast %broadcast_in_dim3A_13 : vector<4096x1xi32> to vector<4096x8xi32>
    %eq3A_205 = arith.cmpi eq, %iota3A, %eq3A_204 : vector<4096x8xi32>
    %jit3A_206 = arith.constant 0 : i32
    %broadcast_in_dim3A_207 = vector.shape_cast %sub3A_187 : vector<1x8xi32> to vector<1x8xi32>
    %broadcast_in_dim3A_208 = vector.broadcast %broadcast_in_dim3A_207 : vector<1x8xi32> to vector<4096x8xi32>
    %broadcast_in_dim3A_209 = vector.broadcast %jit3A_206 : i32 to vector<4096x8xi32>
    %select_n3A_210 = arith.select %eq3A_205, %broadcast_in_dim3A_208, %broadcast_in_dim3A_209 : vector<4096x8xi1>, vector<4096x8xi32>
    %reduce_sum3A_211 = arith.constant dense<0> : vector<4096xi32>
    %reduce_sum3A_212 = vector.multi_reduction <add>, %select_n3A_210, %reduce_sum3A_211 [1] : vector<4096x8xi32> to vector<4096xi32>
    %broadcast_in_dim3A_213 = vector.shape_cast %reduce_sum3A_212 : vector<4096xi32> to vector<4096x1xi32>
    %eq3A_214 = vector.broadcast %broadcast_in_dim3A_29 : vector<4096x1xi32> to vector<4096x8xi32>
    %eq3A_215 = arith.cmpi eq, %iota3A, %eq3A_214 : vector<4096x8xi32>
    %jit3A_216 = arith.constant 0 : i32
    %broadcast_in_dim3A_217 = vector.shape_cast %sub3A_187 : vector<1x8xi32> to vector<1x8xi32>
    %broadcast_in_dim3A_218 = vector.broadcast %broadcast_in_dim3A_217 : vector<1x8xi32> to vector<4096x8xi32>
    %broadcast_in_dim3A_219 = vector.broadcast %jit3A_216 : i32 to vector<4096x8xi32>
    %select_n3A_220 = arith.select %eq3A_215, %broadcast_in_dim3A_218, %broadcast_in_dim3A_219 : vector<4096x8xi1>, vector<4096x8xi32>
    %reduce_sum3A_221 = arith.constant dense<0> : vector<4096xi32>
    %reduce_sum3A_222 = vector.multi_reduction <add>, %select_n3A_220, %reduce_sum3A_221 [1] : vector<4096x8xi32> to vector<4096xi32>
    %broadcast_in_dim3A_223 = vector.shape_cast %reduce_sum3A_222 : vector<4096xi32> to vector<4096x1xi32>
    %add3A_224 = arith.addi %broadcast_in_dim3A_213, %broadcast_in_dim3A_195 : vector<4096x1xi32>
    %swap3A_225 = arith.constant 0 : index
    %swap3A_226 = arith.constant 0 : index
    %swap3A_227 = vector.load %arg1[%swap3A_225, %swap3A_226] : memref<8192x1xi32, #tpu.memory_space<vmem>>, vector<4096x1xi32>
    tpu.vector_store %arg1[%swap3A_225, %swap3A_226], %add3A_224 {strides = array<i32>} : memref<8192x1xi32, #tpu.memory_space<vmem>>, vector<4096x1xi32>,
    %add3A_228 = arith.addi %broadcast_in_dim3A_223, %broadcast_in_dim3A_203 : vector<4096x1xi32>
    %swap3A_229 = arith.constant 4096 : index
    %swap3A_230 = arith.constant 0 : index
    %swap3A_231 = vector.load %arg1[%swap3A_229, %swap3A_230] : memref<8192x1xi32, #tpu.memory_space<vmem>>, vector<4096x1xi32>
    tpu.vector_store %arg1[%swap3A_229, %swap3A_230], %add3A_228 {strides = array<i32>} : memref<8192x1xi32, #tpu.memory_space<vmem>>, vector<4096x1xi32>,
    %div3A_232 = arith.divf %broadcast_in_dim3A_9, %add3A : vector<4096x1xf32>
    %swap3A_233 = arith.constant 0 : index
    %swap3A_234 = arith.constant 0 : index
    %swap3A_235 = vector.load %arg2[%swap3A_233, %swap3A_234] : memref<8192x1xf32, #tpu.memory_space<vmem>>, vector<4096x1xf32>
    tpu.vector_store %arg2[%swap3A_233, %swap3A_234], %div3A_232 {strides = array<i32>} : memref<8192x1xf32, #tpu.memory_space<vmem>>, vector<4096x1xf32>,
    %div3A_236 = arith.divf %broadcast_in_dim3A_21, %add3A : vector<4096x1xf32>
    %swap3A_237 = arith.constant 4096 : index
    %swap3A_238 = arith.constant 0 : index
    %swap3A_239 = vector.load %arg2[%swap3A_237, %swap3A_238] : memref<8192x1xf32, #tpu.memory_space<vmem>>, vector<4096x1xf32>
    tpu.vector_store %arg2[%swap3A_237, %swap3A_238], %div3A_236 {strides = array<i32>} : memref<8192x1xf32, #tpu.memory_space<vmem>>, vector<4096x1xf32>,
    %iota3A_240 = tpu.iota {dimensions = array<i32: 0>} : vector<72x8xi32>
    %mul3A_241 = arith.constant 128 : i32
    %mul3A_242 = vector.broadcast %mul3A_241 : i32 to vector<72x8xi32>
    %mul3A_243 = arith.muli %iota3A_240, %mul3A_242 : vector<72x8xi32>
    %ge3A = vector.broadcast %add3A_186 : vector<1x8xi32> to vector<72x8xi32>
    %ge3A_244 = arith.cmpi sge, %mul3A_243, %ge3A : vector<72x8xi32>
    %convert_element_type3A_245 = arith.extui %ge3A_244 : vector<72x8xi1> to vector<72x8xi32>
    %reduce_sum3A_246 = arith.constant dense<0> : vector<72xi32>
    %reduce_sum3A_247 = vector.multi_reduction <add>, %convert_element_type3A_245, %reduce_sum3A_246 [1] : vector<72x8xi32> to vector<72xi32>
    %broadcast_in_dim3A_248 = vector.shape_cast %reduce_sum3A_247 : vector<72xi32> to vector<72x1xi32>
    %min3A = arith.constant 7 : i32
    %min3A_249 = vector.broadcast %min3A : i32 to vector<72x1xi32>
    %min3A_250 = arith.minsi %broadcast_in_dim3A_248, %min3A_249 : vector<72x1xi32>
    %swap3A_251 = arith.constant 0 : index
    %swap3A_252 = arith.constant 0 : index
    %swap3A_253 = vector.load %arg3[%swap3A_251, %swap3A_252] : memref<72x1xi32, #tpu.memory_space<vmem>>, vector<72x1xi32>
    tpu.vector_store %arg3[%swap3A_251, %swap3A_252], %min3A_250 {strides = array<i32>} : memref<72x1xi32, #tpu.memory_space<vmem>>, vector<72x1xi32>,
    return
  }
}

module attributes {stable_mosaic.version = 14 : i64} {
  func.func @_uncertainty_body(%arg0: memref<4096x768xf32, #tpu.memory_space<vmem>>, %arg1: memref<16x768xf32, #tpu.memory_space<vmem>>, %arg2: memref<1x16xf32, #tpu.memory_space<vmem>>, %arg3: memref<1x16xf32, #tpu.memory_space<vmem>>, %arg4: memref<1x1xf32, #tpu.memory_space<smem>>, %arg5: memref<4096x1xf32, #tpu.memory_space<vmem>>) attributes {dimension_semantics = [], scalar_prefetch = 0 : i64, scratch_operands = 0 : i64, tpu.core_type = #tpu.core_type<tc>} {
    %get3A = arith.constant 0 : index
    %get3A_0 = arith.constant 0 : index
    %get3A_1 = vector.load %arg0[%get3A, %get3A_0] : memref<4096x768xf32, #tpu.memory_space<vmem>>, vector<4096x768xf32>
    %get3A_2 = arith.constant 0 : index
    %get3A_3 = arith.constant 0 : index
    %get3A_4 = vector.load %arg1[%get3A_2, %get3A_3] : memref<16x768xf32, #tpu.memory_space<vmem>>, vector<16x768xf32>
    %dot_general3A = arith.constant dense<0.000000e+00> : vector<4096x16xf32>
    %dot_general3A_5 = tpu.matmul %get3A_1, %get3A_4, %dot_general3A {dimension_numbers = #tpu.dot_dimension_numbers<[1], [1], [0], [0], [0, 0, 1, 0], [], []>, transpose_lhs_hint = false} : vector<4096x768xf32>, vector<16x768xf32>, vector<4096x16xf32> -> vector<4096x16xf32>
    %get3A_6 = arith.constant 0 : index
    %get3A_7 = arith.constant 0 : index
    %get3A_8 = vector.load %arg2[%get3A_6, %get3A_7] : memref<1x16xf32, #tpu.memory_space<vmem>>, vector<1x16xf32>
    %add3A = vector.broadcast %get3A_8 : vector<1x16xf32> to vector<4096x16xf32>
    %add3A_9 = arith.addf %dot_general3A_5, %add3A : vector<4096x16xf32>
    %mul3A = arith.constant 5.000000e-01 : f32
    %mul3A_10 = vector.broadcast %mul3A : f32 to vector<4096x16xf32>
    %mul3A_11 = arith.mulf %mul3A_10, %add3A_9 : vector<4096x16xf32>
    %mul3A_12 = arith.constant 0.707106769 : f32
    %mul3A_13 = vector.broadcast %mul3A_12 : f32 to vector<4096x16xf32>
    %mul3A_14 = arith.mulf %add3A_9, %mul3A_13 : vector<4096x16xf32>
    %erf3A = math.erf %mul3A_14 : vector<4096x16xf32>
    %add3A_15 = arith.constant 1.000000e+00 : f32
    %add3A_16 = vector.broadcast %add3A_15 : f32 to vector<4096x16xf32>
    %add3A_17 = arith.addf %add3A_16, %erf3A : vector<4096x16xf32>
    %mul3A_18 = arith.mulf %mul3A_11, %add3A_17 : vector<4096x16xf32>
    %get3A_19 = arith.constant 0 : index
    %get3A_20 = arith.constant 0 : index
    %get3A_21 = vector.load %arg3[%get3A_19, %get3A_20] : memref<1x16xf32, #tpu.memory_space<vmem>>, vector<1x16xf32>
    %mul3A_22 = vector.broadcast %get3A_21 : vector<1x16xf32> to vector<4096x16xf32>
    %mul3A_23 = arith.mulf %mul3A_18, %mul3A_22 : vector<4096x16xf32>
    %reduce_sum3A = arith.constant dense<0.000000e+00> : vector<4096xf32>
    %reduce_sum3A_24 = vector.multi_reduction <add>, %mul3A_23, %reduce_sum3A [1] : vector<4096x16xf32> to vector<4096xf32>
    %broadcast_in_dim3A = vector.shape_cast %reduce_sum3A_24 : vector<4096xf32> to vector<4096x1xf32>
    %get3A_25 = arith.constant 0 : index
    %get3A_26 = arith.constant 0 : index
    %get3A_27 = memref.load %arg4[%get3A_25, %get3A_26] : memref<1x1xf32, #tpu.memory_space<smem>>
    %add3A_28 = vector.broadcast %get3A_27 : f32 to vector<4096x1xf32>
    %add3A_29 = arith.addf %broadcast_in_dim3A, %add3A_28 : vector<4096x1xf32>
    %max3A = arith.constant 0.000000e+00 : f32
    %max3A_30 = vector.broadcast %max3A : f32 to vector<4096x1xf32>
    %max3A_31 = arith.maximumf %add3A_29, %max3A_30 : vector<4096x1xf32>
    %abs3A = math.absf %add3A_29 : vector<4096x1xf32>
    %neg3A = arith.constant 0.000000e+00 : f32
    %neg3A_32 = vector.broadcast %neg3A : f32 to vector<4096x1xf32>
    %neg3A_33 = arith.subf %neg3A_32, %abs3A : vector<4096x1xf32>
    %exp3A = math.exp %neg3A_33 : vector<4096x1xf32>
    %log1p3A = math.log1p %exp3A : vector<4096x1xf32>
    %add3A_34 = arith.addf %max3A_31, %log1p3A : vector<4096x1xf32>
    %reduce_sum3A_35 = vector.shape_cast %add3A_34 : vector<4096x1xf32> to vector<1x4096x1xf32>
    %reduce_sum3A_36 = arith.constant dense<0.000000e+00> : vector<1xf32>
    %reduce_sum3A_37 = vector.multi_reduction <add>, %reduce_sum3A_35, %reduce_sum3A_36 [1, 2] : vector<1x4096x1xf32> to vector<1xf32>
    %reduce_sum3A_38 = vector.shape_cast %reduce_sum3A_37 : vector<1xf32> to vector<1x1x1xf32>
    %reduce_sum3A_39 = vector.extract %reduce_sum3A_38[0, 0, 0] : f32 from vector<1x1x1xf32>
    %div3A = arith.constant 4.096000e+03 : f32
    %div3A_40 = arith.divf %reduce_sum3A_39, %div3A : f32
    %add3A_41 = arith.constant 9.99999993E-9 : f32
    %add3A_42 = arith.addf %div3A_40, %add3A_41 : f32
    %div3A_43 = vector.broadcast %add3A_42 : f32 to vector<4096x1xf32>
    %div3A_44 = arith.divf %add3A_34, %div3A_43 : vector<4096x1xf32>
    %swap3A = arith.constant 0 : index
    %swap3A_45 = arith.constant 0 : index
    %swap3A_46 = vector.load %arg5[%swap3A, %swap3A_45] : memref<4096x1xf32, #tpu.memory_space<vmem>>, vector<4096x1xf32>
    tpu.vector_store %arg5[%swap3A, %swap3A_45], %div3A_44 {strides = array<i32>} : memref<4096x1xf32, #tpu.memory_space<vmem>>, vector<4096x1xf32>,
    return
  }
}

module attributes {stable_mosaic.version = 14 : i64} {
  func.func @_ffn_body(%arg0: i32, %arg1: memref<72xi32, #tpu.memory_space<smem>>, %arg2: memref<128x768xbf16, #tpu.memory_space<vmem>>, %arg3: memref<1x3072x768xbf16, #tpu.memory_space<vmem>>, %arg4: memref<1x1x3072xf32, #tpu.memory_space<vmem>>, %arg5: memref<1x768x3072xbf16, #tpu.memory_space<vmem>>, %arg6: memref<1x1x768xf32, #tpu.memory_space<vmem>>, %arg7: memref<128x768xf32, #tpu.memory_space<vmem>>) attributes {dimension_semantics = [#tpu.dimension_semantics<arbitrary>], iteration_bounds = array<i64: 72>, scalar_prefetch = 1 : i64, scratch_operands = 0 : i64, tpu.core_type = #tpu.core_type<tc>, window_params = [{transform_indices = @transform_0, window_bounds = array<i64: 128, 768>}, {transform_indices = @transform_1, window_bounds = array<i64: 1, 3072, 768>}, {transform_indices = @transform_2, window_bounds = array<i64: 1, 1, 3072>}, {transform_indices = @transform_3, window_bounds = array<i64: 1, 768, 3072>}, {transform_indices = @transform_4, window_bounds = array<i64: 1, 1, 768>}, {transform_indices = @transform_5, window_bounds = array<i64: 128, 768>}]} {
    %get3A = arith.constant 0 : index
    %get3A_0 = arith.constant 0 : index
    %get3A_1 = vector.load %arg2[%get3A, %get3A_0] : memref<128x768xbf16, #tpu.memory_space<vmem>>, vector<128x768xbf16>
    %get3A_2 = arith.constant 0 : index
    %get3A_3 = arith.constant 0 : index
    %get3A_4 = arith.constant 0 : index
    %get3A_5 = vector.load %arg3[%get3A_2, %get3A_3, %get3A_4] : memref<1x3072x768xbf16, #tpu.memory_space<vmem>>, vector<1x3072x768xbf16>
    %get3A_6 = vector.shape_cast %get3A_5 : vector<1x3072x768xbf16> to vector<3072x768xbf16>
    %dot_general3A = arith.constant dense<0.000000e+00> : vector<128x3072xf32>
    %dot_general3A_7 = tpu.matmul %get3A_1, %get3A_6, %dot_general3A {dimension_numbers = #tpu.dot_dimension_numbers<[1], [1], [0], [0], [0, 0, 1, 0], [], []>, transpose_lhs_hint = false} : vector<128x768xbf16>, vector<3072x768xbf16>, vector<128x3072xf32> -> vector<128x3072xf32>
    %get3A_8 = arith.constant 0 : index
    %get3A_9 = arith.constant 0 : index
    %get3A_10 = arith.constant 0 : index
    %get3A_11 = vector.load %arg4[%get3A_8, %get3A_9, %get3A_10] : memref<1x1x3072xf32, #tpu.memory_space<vmem>>, vector<1x1x3072xf32>
    %get3A_12 = vector.shape_cast %get3A_11 : vector<1x1x3072xf32> to vector<1x3072xf32>
    %add3A = vector.broadcast %get3A_12 : vector<1x3072xf32> to vector<128x3072xf32>
    %add3A_13 = arith.addf %dot_general3A_7, %add3A : vector<128x3072xf32>
    %mul3A = arith.constant 5.000000e-01 : f32
    %mul3A_14 = vector.broadcast %mul3A : f32 to vector<128x3072xf32>
    %mul3A_15 = arith.mulf %mul3A_14, %add3A_13 : vector<128x3072xf32>
    %mul3A_16 = arith.constant 0.707106769 : f32
    %mul3A_17 = vector.broadcast %mul3A_16 : f32 to vector<128x3072xf32>
    %mul3A_18 = arith.mulf %add3A_13, %mul3A_17 : vector<128x3072xf32>
    %erf3A = math.erf %mul3A_18 : vector<128x3072xf32>
    %add3A_19 = arith.constant 1.000000e+00 : f32
    %add3A_20 = vector.broadcast %add3A_19 : f32 to vector<128x3072xf32>
    %add3A_21 = arith.addf %add3A_20, %erf3A : vector<128x3072xf32>
    %mul3A_22 = arith.mulf %mul3A_15, %add3A_21 : vector<128x3072xf32>
    %convert_element_type3A = arith.truncf %mul3A_22 : vector<128x3072xf32> to vector<128x3072xbf16>
    %get3A_23 = arith.constant 0 : index
    %get3A_24 = arith.constant 0 : index
    %get3A_25 = arith.constant 0 : index
    %get3A_26 = vector.load %arg5[%get3A_23, %get3A_24, %get3A_25] : memref<1x768x3072xbf16, #tpu.memory_space<vmem>>, vector<1x768x3072xbf16>
    %get3A_27 = vector.shape_cast %get3A_26 : vector<1x768x3072xbf16> to vector<768x3072xbf16>
    %dot_general3A_28 = arith.constant dense<0.000000e+00> : vector<128x768xf32>
    %dot_general3A_29 = tpu.matmul %convert_element_type3A, %get3A_27, %dot_general3A_28 {dimension_numbers = #tpu.dot_dimension_numbers<[1], [1], [0], [0], [0, 0, 1, 0], [], []>, transpose_lhs_hint = false} : vector<128x3072xbf16>, vector<768x3072xbf16>, vector<128x768xf32> -> vector<128x768xf32>
    %get3A_30 = arith.constant 0 : index
    %get3A_31 = arith.constant 0 : index
    %get3A_32 = arith.constant 0 : index
    %get3A_33 = vector.load %arg6[%get3A_30, %get3A_31, %get3A_32] : memref<1x1x768xf32, #tpu.memory_space<vmem>>, vector<1x1x768xf32>
    %get3A_34 = vector.shape_cast %get3A_33 : vector<1x1x768xf32> to vector<1x768xf32>
    %add3A_35 = vector.broadcast %get3A_34 : vector<1x768xf32> to vector<128x768xf32>
    %add3A_36 = arith.addf %dot_general3A_29, %add3A_35 : vector<128x768xf32>
    %swap3A = arith.constant 0 : index
    %swap3A_37 = arith.constant 0 : index
    %swap3A_38 = vector.load %arg7[%swap3A, %swap3A_37] : memref<128x768xf32, #tpu.memory_space<vmem>>, vector<128x768xf32>
    tpu.vector_store %arg7[%swap3A, %swap3A_37], %add3A_36 {strides = array<i32>} : memref<128x768xf32, #tpu.memory_space<vmem>>, vector<128x768xf32>,
    return
  }
  func.func @transform_0(%arg0: i32, %arg1: memref<72xi32, #tpu.memory_space<smem>>) -> (i32, i32) {
    %c0_i32 = arith.constant 0 : i32
    %c0_i32_0 = arith.constant 0 : i32
    return %arg0, %c0_i32 : i32, i32
  }
  func.func @transform_1(%arg0: i32, %arg1: memref<72xi32, #tpu.memory_space<smem>>) -> (i32, i32, i32) {
    %get3A = arith.index_cast %arg0 : i32 to index
    %get3A_0 = memref.load %arg1[%get3A] : memref<72xi32, #tpu.memory_space<smem>>
    %c0_i32 = arith.constant 0 : i32
    %c0_i32_1 = arith.constant 0 : i32
    %c0_i32_2 = arith.constant 0 : i32
    return %get3A_0, %c0_i32, %c0_i32_1 : i32, i32, i32
  }
  func.func @transform_2(%arg0: i32, %arg1: memref<72xi32, #tpu.memory_space<smem>>) -> (i32, i32, i32) {
    %get3A = arith.index_cast %arg0 : i32 to index
    %get3A_0 = memref.load %arg1[%get3A] : memref<72xi32, #tpu.memory_space<smem>>
    %c0_i32 = arith.constant 0 : i32
    %c0_i32_1 = arith.constant 0 : i32
    %c0_i32_2 = arith.constant 0 : i32
    return %get3A_0, %c0_i32, %c0_i32_1 : i32, i32, i32
  }
  func.func @transform_3(%arg0: i32, %arg1: memref<72xi32, #tpu.memory_space<smem>>) -> (i32, i32, i32) {
    %get3A = arith.index_cast %arg0 : i32 to index
    %get3A_0 = memref.load %arg1[%get3A] : memref<72xi32, #tpu.memory_space<smem>>
    %c0_i32 = arith.constant 0 : i32
    %c0_i32_1 = arith.constant 0 : i32
    %c0_i32_2 = arith.constant 0 : i32
    return %get3A_0, %c0_i32, %c0_i32_1 : i32, i32, i32
  }
  func.func @transform_4(%arg0: i32, %arg1: memref<72xi32, #tpu.memory_space<smem>>) -> (i32, i32, i32) {
    %get3A = arith.index_cast %arg0 : i32 to index
    %get3A_0 = memref.load %arg1[%get3A] : memref<72xi32, #tpu.memory_space<smem>>
    %c0_i32 = arith.constant 0 : i32
    %c0_i32_1 = arith.constant 0 : i32
    %c0_i32_2 = arith.constant 0 : i32
    return %get3A_0, %c0_i32, %c0_i32_1 : i32, i32, i32
  }
  func.func @transform_5(%arg0: i32, %arg1: memref<72xi32, #tpu.memory_space<smem>>) -> (i32, i32) {
    %c0_i32 = arith.constant 0 : i32
    %c0_i32_0 = arith.constant 0 : i32
    return %arg0, %c0_i32 : i32, i32
  }
}

module attributes {stable_mosaic.version = 14 : i64} {
  func.func @_combine_add_body(%arg0: i32, %arg1: memref<1024x768xf32, #tpu.memory_space<vmem>>, %arg2: memref<1024x768xf32, #tpu.memory_space<vmem>>, %arg3: memref<1024x1xf32, #tpu.memory_space<vmem>>, %arg4: memref<1024x1xf32, #tpu.memory_space<vmem>>, %arg5: memref<1024x768xf32, #tpu.memory_space<vmem>>) attributes {dimension_semantics = [#tpu.dimension_semantics<arbitrary>], iteration_bounds = array<i64: 4>, scalar_prefetch = 0 : i64, scratch_operands = 0 : i64, tpu.core_type = #tpu.core_type<tc>, window_params = [{transform_indices = @transform_0, window_bounds = array<i64: 1024, 768>}, {transform_indices = @transform_1, window_bounds = array<i64: 1024, 768>}, {transform_indices = @transform_2, window_bounds = array<i64: 1024, 1>}, {transform_indices = @transform_3, window_bounds = array<i64: 1024, 1>}, {transform_indices = @transform_4, window_bounds = array<i64: 1024, 768>}]} {
    %get3A = arith.constant 0 : index
    %get3A_0 = arith.constant 0 : index
    %get3A_1 = vector.load %arg1[%get3A, %get3A_0] : memref<1024x768xf32, #tpu.memory_space<vmem>>, vector<1024x768xf32>
    %get3A_2 = arith.constant 0 : index
    %get3A_3 = arith.constant 0 : index
    %get3A_4 = vector.load %arg3[%get3A_2, %get3A_3] : memref<1024x1xf32, #tpu.memory_space<vmem>>, vector<1024x1xf32>
    %mul3A = vector.broadcast %get3A_4 : vector<1024x1xf32> to vector<1024x768xf32>
    %mul3A_5 = arith.mulf %get3A_1, %mul3A : vector<1024x768xf32>
    %get3A_6 = arith.constant 0 : index
    %get3A_7 = arith.constant 0 : index
    %get3A_8 = vector.load %arg2[%get3A_6, %get3A_7] : memref<1024x768xf32, #tpu.memory_space<vmem>>, vector<1024x768xf32>
    %get3A_9 = arith.constant 0 : index
    %get3A_10 = arith.constant 0 : index
    %get3A_11 = vector.load %arg4[%get3A_9, %get3A_10] : memref<1024x1xf32, #tpu.memory_space<vmem>>, vector<1024x1xf32>
    %mul3A_12 = vector.broadcast %get3A_11 : vector<1024x1xf32> to vector<1024x768xf32>
    %mul3A_13 = arith.mulf %get3A_8, %mul3A_12 : vector<1024x768xf32>
    %add3A = arith.addf %mul3A_5, %mul3A_13 : vector<1024x768xf32>
    %swap3A = arith.constant 0 : index
    %swap3A_14 = arith.constant 0 : index
    %swap3A_15 = vector.load %arg5[%swap3A, %swap3A_14] : memref<1024x768xf32, #tpu.memory_space<vmem>>, vector<1024x768xf32>
    tpu.vector_store %arg5[%swap3A, %swap3A_14], %add3A {strides = array<i32>} : memref<1024x768xf32, #tpu.memory_space<vmem>>, vector<1024x768xf32>,
    return
  }
  func.func @transform_0(%arg0: i32) -> (i32, i32) {
    %c0_i32 = arith.constant 0 : i32
    %c0_i32_0 = arith.constant 0 : i32
    return %arg0, %c0_i32 : i32, i32
  }
  func.func @transform_1(%arg0: i32) -> (i32, i32) {
    %c0_i32 = arith.constant 0 : i32
    %c0_i32_0 = arith.constant 0 : i32
    return %arg0, %c0_i32 : i32, i32
  }
  func.func @transform_2(%arg0: i32) -> (i32, i32) {
    %c0_i32 = arith.constant 0 : i32
    %c0_i32_0 = arith.constant 0 : i32
    return %arg0, %c0_i32 : i32, i32
  }
  func.func @transform_3(%arg0: i32) -> (i32, i32) {
    %c0_i32 = arith.constant 0 : i32
    %c0_i32_0 = arith.constant 0 : i32
    return %arg0, %c0_i32 : i32, i32
  }
  func.func @transform_4(%arg0: i32) -> (i32, i32) {
    %c0_i32 = arith.constant 0 : i32
    %c0_i32_0 = arith.constant 0 : i32
    return %arg0, %c0_i32 : i32, i32
  }
}

</mosaic_0001>

<sc_bundles>
// kernel: kernel.11.cloned.1.call-start
scs
__scs_entry_jumppad:
0x0: {  	(pc) =	sbr.rel $0x88, $3  }
0x1: {  	(tag) =	ssettag $0x0;
	lr =	simm.s32 $0x1  }
0x2: {  	[smem:$0x3F97] =	sst lr;
	_ =	strace $0xD0000000  }
0x3: {  	_ = 	snop  }
0x4: {  	_ = 	snop  }
0x5: {  	_ = 	snop  }
0x6: {  	_ = 	snop  }
0x7: {  	_ = 	snop  }
__scs_overlays_trampoline_lowered:
0x8: {  	[smem:$0x3FA6] =	sst s0  }
0x9: {  	[smem:$0x3FA7] =	sst s1  }
0xa: {  	[smem:$0x3FA8] =	sst s2  }
0xb: {  	[smem:$0x3FA9] =	sst s3  }
0xc: {  	[smem:$0x3FAA] =	sst s4  }
0xd: {  	[smem:$0x3FAB] =	sst s5  }
0xe: {  	[smem:$0x3FAC] =	sst s6  }
0xf: {  	[smem:$0x3FAD] =	sst s7  }
0x10: {  	[smem:$0x3FAE] =	sst s8  }
0x11: {  	[smem:$0x3FAF] =	sst s9;
	s0 =	simm.s32 @!p0 $0x0  }
0x12: {  	s1 =	sld [smem:$0x3F95];
	s0 =	simm.s32 @p0 $0x1  }
0x13: {  	[smem:$0x3FB0] =	sst s0;
	s0 =	simm.s32 @!p1 $0x0  }
0x14: {  	s2 =	sld [smem:$0x3F94];
	s0 =	simm.s32 @p1 $0x1  }
0x15: {  	[smem:$0x3FB1] =	sst s0;
	s0 =	simm.s32 @!p2 $0x0  }
0x16: {  	s3 =	sld [smem:$0x3FDB];
	s0 =	simm.s32 @p2 $0x1  }
0x17: {  	s4 =	simm.s32 $0x1BF5;
	[smem:$0x3FB3] =	sst s0  }
0x18: {  	s0 =	sld [smem:$0x3F96];
	_ =	swait.ge [sflag:s4], $0x0  }
0x19: {  	s7 =	sld [smem:$0x3F97]  }
0x1a: {  	s8 =	sadd.s32 $0xFFFFE003, lr  }
0x1b: {  	s9 =	sadd.s32 $0xFFFFFEF7, lr;
	s5 =	simm.s32 $0xFFFFFFFF;
	p2 =	slt.u32 s8, $0xFFFFF086  }
0x1c: {  	p1 =	slt.u32 s9, $0xF7A;
	s5 =	simm.s32 @!p2 $0x0  }
0x1d: {  	s5 =	simm.s32 @p1 $0x1;
	p0 =	seq.s32 s7, s2  }
0x1e: {  	s7 =	smul.u32 @!p0 $0xF7A, s2;
	p2 =	seq.s32 @!p0 s5, $0x0  }
0x1f: {  	s9 =	smul.u32 $0xF7A, s1;
	s8 =	simm.s32 @!p0 $0x1BF5;
	p2 =	por !p2, p0  }
0x20: {  	[sflag:s8] =	ssyncset.s32 @!p0 $0xFFFFF086;
	s6 =	sadd.s32 @!p0 s3, s7;
	s7 =	simm.s32 @!p0 $0x108  }
0x21: {  	s3 =	sadd.s32 s3, s9;
	s6 =	sadd.s32 @!p0 $0x88, s6;
	s7 =	simm.s32 @p2 $0x1082  }
0x22: {  	[simem:s7], [sflag:s8] =	dma.local @!p0 [hbm:s6], $0xF7A  }
0x23: {  	s9 =	sor.u32 $0xD0000000, s2;
	s6 =	simm.s32 $0x108;
	_ =	swait.ge @!p0 [sflag:s8], $0x0  }
0x24: {  	s3 =	sadd.s32 $0x88, s3;
	s6 =	simm.s32 @!p1 $0x1082;
	[sflag:s4] =	ssyncset.s32 $0xFFFFF086  }
0x25: {  	[simem:s6], [sflag:s4] =	dma.local [hbm:s3], $0xF7A  }
0x26: {  	[smem:$0x3F97] =	sst s1;
	(tag) =	ssettag s2;
	_ =	strace s9  }
0x27: {  	s1 =	sld [smem:$0x3FA7]  }
0x28: {  	s2 =	sld [smem:$0x3FA8]  }
0x29: {  	s4 =	sld [smem:$0x3FAA]  }
0x2a: {  	p0 =	seq.s32 s5, $0x0;
	s5 =	sld [smem:$0x3FAB]  }
0x2b: {  	s6 =	sld [smem:$0x3FAC]  }
0x2c: {  	s7 =	sld [smem:$0x3FAD]  }
0x2d: {  	s3 =	simm.s32 $0x108;
	s8 =	sld [smem:$0x3FAE]  }
0x2e: {  	s3 =	simm.s32 @!p0 $0x1082;
	s9 =	sld [smem:$0x3FAF]  }
0x2f: {  	lr =	sadd.s32 s0, s3;
	s0 =	sld [smem:$0x3FA6]  }
0x30: {  	s3 =	sld [smem:$0x3FA9]  }
0x31: {  	[smem:$0x3FB2] =	sst s10  }
0x32: {  	s10 =	sld [smem:$0x3FB0];
	_ =	sdelay $0x3  }
0x33: {  	p0 =	seq.s32 s10, $0x1;
	s10 =	sld [smem:$0x3FB2];
	_ =	sdelay $0x3  }
0x34: {  	[smem:$0x3FB2] =	sst s10  }
0x35: {  	s10 =	sld [smem:$0x3FB1];
	_ =	sdelay $0x3  }
0x36: {  	p1 =	seq.s32 s10, $0x1;
	s10 =	sld [smem:$0x3FB2];
	_ =	sdelay $0x3  }
0x37: {  	[smem:$0x3FB2] =	sst s10  }
0x38: {  	s10 =	sld [smem:$0x3FB3]  }
0x39: {  	_ = 	snop;
	(pc) =	sbr.ind lr, $3  }
0x3a: {  	_ = 	snop  }
0x3b: {  	_ = 	snop  }
0x3c: {  	p2 =	seq.s32 s10, $0x1;
	s10 =	sld [smem:$0x3FB2]  }
0x3d: {  	_ =	shalt  }
0x3e: {  	_ =	shalt  }
0x3f: {  	_ =	shalt  }
0x40: {  	_ =	shalt  }
0x41: {  	_ =	shalt  }
0x42: {  	_ =	shalt  }
0x43: {  	_ =	shalt  }
0x44: {  	_ =	shalt  }
0x45: {  	_ =	shalt  }
0x46: {  	_ =	shalt  }
0x47: {  	_ =	shalt  }
0x48: {  	_ =	shalt  }
0x49: {  	_ =	shalt  }
0x4a: {  	_ =	shalt  }
0x4b: {  	_ =	shalt  }
0x4c: {  	_ =	shalt  }
0x4d: {  	_ =	shalt  }
0x4e: {  	_ =	shalt  }
0x4f: {  	_ =	shalt  }
0x50: {  	_ =	shalt  }
0x51: {  	_ =	shalt  }
0x52: {  	_ =	shalt  }
0x53: {  	_ =	shalt  }
0x54: {  	_ =	shalt  }
0x55: {  	_ =	shalt  }
0x56: {  	_ =	shalt  }
0x57: {  	_ =	shalt  }
0x58: {  	_ =	shalt  }
0x59: {  	_ =	shalt  }
0x5a: {  	_ =	shalt  }
0x5b: {  	_ =	shalt  }
0x5c: {  	_ =	shalt  }
0x5d: {  	_ =	shalt  }
0x5e: {  	_ =	shalt  }
0x5f: {  	_ =	shalt  }
0x60: {  	_ =	shalt  }
0x61: {  	_ =	shalt  }
0x62: {  	_ =	shalt  }
0x63: {  	_ =	shalt  }
0x64: {  	_ =	shalt  }
0x65: {  	_ =	shalt  }
0x66: {  	_ =	shalt  }
0x67: {  	_ =	shalt  }
0x68: {  	_ =	shalt  }
0x69: {  	_ =	shalt  }
0x6a: {  	_ =	shalt  }
0x6b: {  	_ =	shalt  }
0x6c: {  	_ =	shalt  }
0x6d: {  	_ =	shalt  }
0x6e: {  	_ =	shalt  }
0x6f: {  	_ =	shalt  }
0x70: {  	_ =	shalt  }
0x71: {  	_ =	shalt  }
0x72: {  	_ =	shalt  }
0x73: {  	_ =	shalt  }
0x74: {  	_ =	shalt  }
0x75: {  	_ =	shalt  }
0x76: {  	_ =	shalt  }
0x77: {  	_ =	shalt  }
0x78: {  	_ =	shalt  }
0x79: {  	_ =	shalt  }
0x7a: {  	_ =	shalt  }
0x7b: {  	_ =	shalt  }
0x7c: {  	_ =	shalt  }
0x7d: {  	_ =	shalt  }
0x7e: {  	_ =	shalt  }
0x7f: {  	_ =	shalt  }
0x80: {  	_ =	shalt  }
0x81: {  	_ =	shalt  }
0x82: {  	_ =	shalt  }
0x83: {  	_ =	shalt  }
0x84: {  	_ =	shalt  }
0x85: {  	_ =	shalt  }
0x86: {  	_ =	shalt  }
0x87: {  	_ =	shalt  }
.Lfunc_end0:
.L_simem_size_0:
called_computation.1_lowered:
.L_overlay_start_0:
0x88: {  	s2 =	sld [smem:$0x3FD9]  }
0x89: {  	s3 =	sld [smem:$0x3FFE];
	_ =	sdelay $0x1  }
0x8a: {  	s1 =	srdreg.scid  }
0x8b: {  	s0 =	sand.u32 $0x1, s1  }
0x8c: {  	s14 =	sshll.u32 s0, $0xA;
	s2 =	sadd.s32 s3, s2  }
0x8d: {  	s2 =	sadd.s32 s2, s14  }
0x8e: {  	[smem:$0x3FBE] =	sst s2  }
0x8f: {  	_ = 	snop  }
0x90: {  	s2 =	sld [smem:$0x3FD0];
	_ =	sdelay $0x2  }
0x91: {  	s15 =	simm.s32 $0xA;
	s4 =	simm.s32 $0x10  }
0x92: {  	[smem:s4], [sflag:s15] =	dma.local [hbm:s2], $0x1  }
0x93: {  	_ =	swait.eq [sflag:s15], $0x1  }
0x94: {  	[sflag:s15] =	ssyncset.done $0x0  }
0x95: {  	[sflag:s15] =	ssyncadd.s32 $0xFFFFFFFF  }
0x96: {  	s16 =	sld [smem:$0x10];
	(tm) =	ssettm $0x1  }
0x97: {  	s17 =	sld [smem:$0x3FFB];
	_ =	sdelay $0x3  }
0x98: {  	_ =	strace s17  }
0x99: {  	s3 =	sld [smem:$0x3FFC];
	_ =	sdelay $0x3  }
0x9a: {  	_ =	strace s3  }
0x9b: {  	s3 =	sld [smem:$0x3FFD];
	_ =	sdelay $0x3  }
0x9c: {  	_ =	strace s3  }
0x9d: {  	_ =	strace $0x8FFFFFFF  }
0x9e: {  	s18 =	sld [smem:$0x3FDB];
	_ =	sdelay $0x1  }
0x9f: {  	s19 =	simm.s32 $_scs_section_size  }
0xa0: {  	s5 =	simm.s32 $_size__tile_overlayer_lowered;
	s6 =	simm.s32 $_tile_overlayer_lowered  }
0xa1: {  	s22 =	simm.s32 $0x1BFF;
	s21 =	sshll.u32 s6, $0x1;
	s3 =	sadd.s32 s19, s18  }
0xa2: {  	s7 =	simm.s32 $0x0;
	s20 =	sshll.u32 s5, $0x1;
	s5 =	sadd.s32 s21, s3  }
0xa3: {  	[timem:s7], [sflag:s22] =	dma.local [hbm:s5], s20  }
0xa4: {  	_ =	swait.ge [sflag:s22], s20  }
0xa5: {  	s4 =	ssub.s32 $0x0, s20;
	[sflag:s22] =	ssyncset.done $0x0  }
0xa6: {  	[sflag:s22] =	ssyncadd.s32 s4;
	_ =	sdelay $0x1  }
0xa7: {  	s23 =	simm.s32 $0x1B8B  }
0xa8: {  	_ =	swait.ge [sflag:s23], $0x1  }
0xa9: {  	[sflag:s23] =	ssyncset.done $0x0  }
0xaa: {  	s25 =	simm.s32 $0x1B8E;
	s24 =	sld [smem:$0x3FFE];
	[sflag:s23] =	ssyncadd.s32 $0xFFFFFFFF  }
0xab: {  	s26 =	simm.s32 $execute0_lowered;
	[smem:$0x3FD2] =	sst s25  }
0xac: {  	s5 =	sshll.u32 s26, $0x1;
	_ =	strace $0x80000049;
	[dreg:$0x1] =	wrdreg $0xFFFFFFFF  }
0xad: {  	s28 =	simm.s32 $_size_execute0_lowered;
	s3 =	sadd.s32 s3, s5;
	[dreg:$0x0] =	wrdreg $0x0  }
0xae: {  	s5 =	sshll.u32 s28, $0x1;
	[dreg:$0x2] =	wrdreg s3  }
0xaf: {  	[dreg:$0x3] =	wrdreg s5  }
0xb0: {  	[dreg:$0x4] =	wrdreg $0xC0  }
0xb1: {  	_ =	task [dreg:s7], $0x5FFFF  }
0xb2: {  	[dreg:$0x1] =	wrdreg $0xFFFFFFFF  }
0xb3: {  	[dreg:$0x0] =	wrdreg $0x60  }
0xb4: {  	[dreg:$0x2] =	wrdreg s24  }
0xb5: {  	[dreg:$0x3] =	wrdreg s16  }
0xb6: {  	[dreg:$0x4] =	wrdreg $0x9  }
0xb7: {  	_ =	task.clear_ibuf [dreg:s7], $0x5FFFF;
	_ =	strace $0x90000049  }
0xb8: {  	s29 =	simm.s32 $0x9;
	_ =	strace $0x8000004B  }
0xb9: {  	_ =	swait.ge [sflag:s29], $0x1  }
0xba: {  	[sflag:s29] =	ssyncadd.s32 $0xFFFFFFFF  }
0xbb: {  	_ =	strace $0x9000004B  }
0xbc: {  	_ =	sfence  }
0xbd: {  	s30 =	sld [smem:$0x0];
	_ =	sdelay $0x2  }
0xbe: {  	s31 =	sshll.u32 s1, $0xD;
	s1 =	sshrl.u32 s1, $0x2  }
0xbf: {  	s3 =	sand.u32 $0x4000, s31;
	s1 =	sadd.s32 s1, s30  }
0xc0: {  	s0 =	sor.u32 s3, s0;
	s1 =	sshll.u32 s1, $0x11  }
0xc1: {  	s0 =	sor.u32 s1, s0  }
0xc2: {  	s0 =	sadd.s32 $0x8F2B, s0  }
0xc3: {  	[sflag:s0] =	ssyncadd.remote.s32 $0x1  }
0xc4: {  	_ =	sfence.sel $0xFFFF  }
0xc5: {  	[dreg:$0x0] =	wrdreg $0xFFFFFFFF;
	(pc) =	sbr.abs _section_cstart, $3  }
0xc6: {  	[dreg:$0x1] =	wrdreg $0xFFFFFFFF  }
0xc7: {  	_ =	task.clear_ibuf [dreg:s7], $0x2FFFF;
	_ =	strace $0x9FFFFFFF  }
0xc8: {  	(tm) =	ssettm $0x7FFFFFFF  }
0xc9: {  	_ =	shalt  }
tec
execute0_lowered:
.L_overlay_start_1:
0x0: {  	(tag) =	ssettag $0x1  }
0x1: {  	s0 =	rddreg [dreg:$0x0]  }
0x2: {  	s1 =	rddreg [dreg:$0x1]  }
0x3: {  	s3 =	srdreg.scid;
	s5 =	stileid.u32  }
0x4: {  	s2 =	simm.s32 $0x0;
	s10 =	simm.s32 $0x1;
	s12 =	simm.s32 $0x900  }
0x5: {  	s13 =	simm.s32 $0x1100;
	s14 =	simm.s32 $0x1900;
	s15 =	simm.s32 $0x2100  }
0x6: {  	s28 =	simm.s32 $0x7900;
	s29 =	simm.s32 $0x8100;
	s30 =	simm.s32 $0x8900  }
0x7: {  	s31 =	simm.s32 $0x9100;
	s9 =	simm.s32 $0xC100;
	s4 =	sand.u32 $0x1, s3  }
0x8: {  	s16 =	sshll.u32 s5, $0x1;
	[smem:$0x7FF] =	sst s2;
	s8 =	sadd.s32 $0x21200, s0  }
0x9: {  	s5 =	sor.u32 s4, s16;
	_ =	strace $0x8000004A;
	s4 =	ssub.s32 $0x2, s4  }
0xa: {  	s16 =	simm.s32 $0x2900;
	s3 =	sshll.u32 s5, $0x5;
	s7 =	smul.u32 $0x3000, s5  }
0xb: {  	s5 =	smul.u32 $0x18000, s5;
	s24 =	sshrl.u32 s4, $0x1;
	s6 =	sadd.s32 s3, s0  }
0xc: {  	s3 =	sadd.s32 $0x2CDA00, s0;
	s25 =	ssub.s32 s4, s24;
	s6 =	sadd.s32 $0x2CD600, s6  }
0xd: {  	s4 =	sadd.s32 $0x2CDB00, s0;
	s17 =	sadd.s32 s1, s7;
	[dreg:$0x3] =	wrdreg s6  }
0xe: {  	s24 =	simm.s32 $0x5900;
	s18 =	sadd.s32 s8, s7;
	[dreg:$0x4] =	wrdreg s17  }
0xf: {  	s7 =	sor.u32 $0xC00, s7;
	s5 =	sshrl.u32 s5, $0x3;
	[dreg:$0x5] =	wrdreg s18  }
0x10: {  	s19 =	sadd.s32 s1, s7;
	s20 =	sadd.s32 s8, s7;
	s21 =	sadd.s32 $0x1800, s5  }
0x11: {  	s5 =	sadd.s32 $0x2400, s5;
	s6 =	smax.u32 s25, $0x1;
	s7 =	simm.s32 $0x2  }
0x12: {  	s17 =	simm.s32 $0x3100;
	s18 =	simm.s32 $0x3900;
	[dreg:$0x6] =	wrdreg s19  }
0x13: {  	s25 =	simm.s32 $0x6900;
	[dreg:$0x7] =	wrdreg s20;
	s22 =	sadd.s32 s1, s21  }
0x14: {  	s23 =	sadd.s32 s8, s21;
	s1 =	sadd.s32 s1, s5;
	[dreg:$0x8] =	wrdreg s22  }
0x15: {  	s26 =	sadd.s32 s8, s5;
	s5 =	sadd.s32 $0x2CDC00, s0;
	[dreg:$0x9] =	wrdreg s23  }
0x16: {  	v2 =	vlaneseq.u32;
	s19 =	simm.s32 $0x4100;
	s20 =	simm.s32 $0x9900;
	[dreg:$0xa] =	wrdreg s1  }
0x17: {  	vm0 =	vmmov $0xffff;
	v1 =	vshrl.u32 v2, $0x3;
	s21 =	simm.s32 $0xB100;
	s8 =	simm.s32 $0x12100;
	[dreg:$0xb] =	wrdreg s26  }
0x18: {  	v0 =	vand.u32 $0x7, v2;
	v2 =	vor.u32 $0x8, v2;
	v1 =	vmul.u32 $0x8, v1;
	s22 =	simm.s32 $0x4900;
	s23 =	simm.s32 $0x5100;
	s26 =	simm.s32 $0x7100  }
.LBB2_1:
0x19: {  	s11 =	rddreg [dreg:$0x3]  }
0x1a: {  	[tilespmem:s2], [sflag:$0x2] =	stream.linear.gather [hbm4b:s11+s2], $0x100, $0x38;
	[tilespmem:$0x18100] =	vst v63  }
0x1b: {  	_ =	swait.ge [sflag:s7], $0x100  }
0x1c: {  	[sflag:s7] =	ssyncset.done $0x0  }
0x1d: {  	[sflag:s7] =	ssyncadd.s32 $0xFFFFFF00  }
0x1e: {  	v3 =	vld [tilespmem:$0x0];
	_ =	sdelay $0x4  }
0x1f: {  	v4 =	vshrl.u32 v3, $0x3  }
0x20: {  	v4 =	vmul.u32 $0x30, v4  }
0x21: {  	v3 =	vand.u32 $0x7, v3  }
0x22: {  	v3 =	vor.u32 v3, v4  }
0x23: {  	v4 =	vperm.xlane v3, v0;
	_ =	sdelay $0x1  }
0x24: {  	v4 =	vadd.s32 v1, v4;
	_ =	sdelay $0x3  }
0x25: {  	s0 =	simm.s32 $0x100;
	v3 =	vperm.xlane v3, v2  }
0x26: {  	[tilespmem:s0], [sflag:$0x1] =	stream.indirect_vreg.gather [hbm4b:s3+s2], $0x80, v4, vm0, $0xb8;
	[tilespmem:$0x18100] =	vst v63  }
0x27: {  	v3 =	vadd.s32 v1, v3  }
0x28: {  	[tilespmem:s12], [sflag:$0x1] =	stream.indirect_vreg.gather [hbm4b:s4+s2], $0x80, v4, vm0, $0xb8;
	[tilespmem:$0x18100] =	vst v63  }
0x29: {  	_ = 	snop  }
0x2a: {  	[tilespmem:s13], [sflag:$0x1] =	stream.indirect_vreg.gather [hbm4b:s5+s2], $0x80, v4, vm0, $0xb8;
	[tilespmem:$0x18100] =	vst v63  }
0x2b: {  	_ = 	snop  }
0x2c: {  	[tilespmem:s14], [sflag:$0x1] =	stream.indirect_vreg.gather [hbm4b:s3+s2], $0x80, v3, vm0, $0xb8;
	[tilespmem:$0x18100] =	vst v63  }
0x2d: {  	_ = 	snop  }
0x2e: {  	[tilespmem:s15], [sflag:$0x1] =	stream.indirect_vreg.gather [hbm4b:s4+s2], $0x80, v3, vm0, $0xb8;
	[tilespmem:$0x18100] =	vst v63  }
0x2f: {  	_ = 	snop  }
0x30: {  	[tilespmem:s16], [sflag:$0x1] =	stream.indirect_vreg.gather [hbm4b:s5+s2], $0x80, v3, vm0, $0xb8;
	[tilespmem:$0x18100] =	vst v63  }
0x31: {  	v3 =	vld [tilespmem:$0x10];
	_ =	sdelay $0x4  }
0x32: {  	v49 =	vshrl.u32 v3, $0x3  }
0x33: {  	v4 =	vmul.u32 $0x30, v49  }
0x34: {  	v3 =	vand.u32 $0x7, v3  }
0x35: {  	v3 =	vor.u32 v3, v4  }
0x36: {  	v4 =	vperm.xlane v3, v0;
	_ =	sdelay $0x1  }
0x37: {  	v4 =	vadd.s32 v1, v4;
	_ =	sdelay $0x3  }
0x38: {  	v3 =	vperm.xlane v3, v2  }
0x39: {  	[tilespmem:s17], [sflag:$0x1] =	stream.indirect_vreg.gather [hbm4b:s3+s2], $0x80, v4, vm0, $0xb8;
	[tilespmem:$0x18100] =	vst v63  }
0x3a: {  	v3 =	vadd.s32 v1, v3  }
0x3b: {  	[tilespmem:s18], [sflag:$0x1] =	stream.indirect_vreg.gather [hbm4b:s4+s2], $0x80, v4, vm0, $0xb8;
	[tilespmem:$0x18100] =	vst v63  }
0x3c: {  	_ = 	snop  }
0x3d: {  	[tilespmem:s19], [sflag:$0x1] =	stream.indirect_vreg.gather [hbm4b:s5+s2], $0x80, v4, vm0, $0xb8;
	[tilespmem:$0x18100] =	vst v63  }
0x3e: {  	_ = 	snop  }
0x3f: {  	[tilespmem:s22], [sflag:$0x1] =	stream.indirect_vreg.gather [hbm4b:s3+s2], $0x80, v3, vm0, $0xb8;
	[tilespmem:$0x18100] =	vst v63  }
0x40: {  	_ = 	snop  }
0x41: {  	[tilespmem:s23], [sflag:$0x1] =	stream.indirect_vreg.gather [hbm4b:s4+s2], $0x80, v3, vm0, $0xb8;
	[tilespmem:$0x18100] =	vst v63  }
0x42: {  	_ = 	snop  }
0x43: {  	[tilespmem:s24], [sflag:$0x1] =	stream.indirect_vreg.gather [hbm4b:s5+s2], $0x80, v3, vm0, $0xb8;
	[tilespmem:$0x18100] =	vst v63  }
0x44: {  	v3 =	vld [tilespmem:$0x80];
	_ =	sdelay $0x4  }
0x45: {  	v50 =	vshrl.u32 v3, $0x3  }
0x46: {  	v4 =	vmul.u32 $0x30, v50  }
0x47: {  	v3 =	vand.u32 $0x7, v3  }
0x48: {  	v3 =	vor.u32 v3, v4  }
0x49: {  	v4 =	vperm.xlane v3, v0;
	_ =	sdelay $0x1  }
0x4a: {  	v4 =	vadd.s32 v1, v4;
	_ =	sdelay $0x3  }
0x4b: {  	s1 =	simm.s32 $0x6100;
	v3 =	vperm.xlane v3, v2  }
0x4c: {  	[tilespmem:s1], [sflag:$0x1] =	stream.indirect_vreg.gather [hbm4b:s3+s2], $0x80, v4, vm0, $0xb8;
	[tilespmem:$0x18100] =	vst v63  }
0x4d: {  	v3 =	vadd.s32 v1, v3  }
0x4e: {  	[tilespmem:s25], [sflag:$0x1] =	stream.indirect_vreg.gather [hbm4b:s4+s2], $0x80, v4, vm0, $0xb8;
	[tilespmem:$0x18100] =	vst v63  }
0x4f: {  	_ = 	snop  }
0x50: {  	[tilespmem:s26], [sflag:$0x1] =	stream.indirect_vreg.gather [hbm4b:s5+s2], $0x80, v4, vm0, $0xb8;
	[tilespmem:$0x18100] =	vst v63  }
0x51: {  	_ = 	snop  }
0x52: {  	[tilespmem:s28], [sflag:$0x1] =	stream.indirect_vreg.gather [hbm4b:s3+s2], $0x80, v3, vm0, $0xb8;
	[tilespmem:$0x18100] =	vst v63  }
0x53: {  	_ = 	snop  }
0x54: {  	[tilespmem:s29], [sflag:$0x1] =	stream.indirect_vreg.gather [hbm4b:s4+s2], $0x80, v3, vm0, $0xb8;
	[tilespmem:$0x18100] =	vst v63  }
0x55: {  	_ = 	snop  }
0x56: {  	[tilespmem:s30], [sflag:$0x1] =	stream.indirect_vreg.gather [hbm4b:s5+s2], $0x80, v3, vm0, $0xb8;
	[tilespmem:$0x18100] =	vst v63  }
0x57: {  	v3 =	vld [tilespmem:$0x90];
	_ =	sdelay $0x4  }
0x58: {  	v51 =	vshrl.u32 v3, $0x3  }
0x59: {  	v4 =	vmul.u32 $0x30, v51  }
0x5a: {  	v3 =	vand.u32 $0x7, v3  }
0x5b: {  	v3 =	vor.u32 v3, v4  }
0x5c: {  	v4 =	vperm.xlane v3, v0;
	_ =	sdelay $0x1  }
0x5d: {  	v4 =	vadd.s32 v1, v4;
	_ =	sdelay $0x3  }
0x5e: {  	v3 =	vperm.xlane v3, v2  }
0x5f: {  	[tilespmem:s31], [sflag:$0x1] =	stream.indirect_vreg.gather [hbm4b:s3+s2], $0x80, v4, vm0, $0xb8;
	[tilespmem:$0x18100] =	vst v63  }
0x60: {  	v3 =	vadd.s32 v1, v3  }
0x61: {  	[tilespmem:s20], [sflag:$0x1] =	stream.indirect_vreg.gather [hbm4b:s4+s2], $0x80, v4, vm0, $0xb8;
	[tilespmem:$0x18100] =	vst v63  }
0x62: {  	s11 =	simm.s32 $0xA100  }
0x63: {  	[tilespmem:s11], [sflag:$0x1] =	stream.indirect_vreg.gather [hbm4b:s5+s2], $0x80, v4, vm0, $0xb8;
	[tilespmem:$0x18100] =	vst v63  }
0x64: {  	s1 =	simm.s32 $0xA900  }
0x65: {  	[tilespmem:s1], [sflag:$0x1] =	stream.indirect_vreg.gather [hbm4b:s3+s2], $0x80, v3, vm0, $0xb8;
	[tilespmem:$0x18100] =	vst v63  }
0x66: {  	_ = 	snop  }
0x67: {  	[tilespmem:s21], [sflag:$0x1] =	stream.indirect_vreg.gather [hbm4b:s4+s2], $0x80, v3, vm0, $0xb8;
	[tilespmem:$0x18100] =	vst v63  }
0x68: {  	s11 =	simm.s32 $0xB900  }
0x69: {  	[tilespmem:s11], [sflag:$0x1] =	stream.indirect_vreg.gather [hbm4b:s5+s2], $0x80, v3, vm0, $0xb8;
	[tilespmem:$0x18100] =	vst v63  }
0x6a: {  	v3 =	vld [tilespmem:$0x20];
	_ =	sdelay $0x4  }
0x6b: {  	v52 =	vshrl.u32 v3, $0x3  }
0x6c: {  	v4 =	vmul.u32 $0x30, v52  }
0x6d: {  	v3 =	vand.u32 $0x7, v3  }
0x6e: {  	v3 =	vor.u32 v3, v4  }
0x6f: {  	v4 =	vperm.xlane v3, v0;
	_ =	sdelay $0x1  }
0x70: {  	v4 =	vadd.s32 v1, v4;
	_ =	sdelay $0x3  }
0x71: {  	v3 =	vperm.xlane v3, v2  }
0x72: {  	[tilespmem:s9], [sflag:$0x1] =	stream.indirect_vreg.gather [hbm4b:s3+s2], $0x80, v4, vm0, $0xb8;
	[tilespmem:$0x18100] =	vst v63  }
0x73: {  	s1 =	simm.s32 $0xC900;
	v3 =	vadd.s32 v1, v3  }
0x74: {  	[tilespmem:s1], [sflag:$0x1] =	stream.indirect_vreg.gather [hbm4b:s4+s2], $0x80, v4, vm0, $0xb8;
	[tilespmem:$0x18100] =	vst v63  }
0x75: {  	s11 =	simm.s32 $0xD100  }
0x76: {  	[tilespmem:s11], [sflag:$0x1] =	stream.indirect_vreg.gather [hbm4b:s5+s2], $0x80, v4, vm0, $0xb8;
	[tilespmem:$0x18100] =	vst v63  }
0x77: {  	s1 =	simm.s32 $0xD900  }
0x78: {  	[tilespmem:s1], [sflag:$0x1] =	stream.indirect_vreg.gather [hbm4b:s3+s2], $0x80, v3, vm0, $0xb8;
	[tilespmem:$0x18100] =	vst v63  }
0x79: {  	s11 =	simm.s32 $0xE100  }
0x7a: {  	[tilespmem:s11], [sflag:$0x1] =	stream.indirect_vreg.gather [hbm4b:s4+s2], $0x80, v3, vm0, $0xb8;
	[tilespmem:$0x18100] =	vst v63  }
0x7b: {  	s1 =	simm.s32 $0xE900  }
0x7c: {  	[tilespmem:s1], [sflag:$0x1] =	stream.indirect_vreg.gather [hbm4b:s5+s2], $0x80, v3, vm0, $0xb8;
	[tilespmem:$0x18100] =	vst v63  }
0x7d: {  	v3 =	vld [tilespmem:$0x30];
	_ =	sdelay $0x4  }
0x7e: {  	v53 =	vshrl.u32 v3, $0x3  }
0x7f: {  	v4 =	vmul.u32 $0x30, v53  }
0x80: {  	v3 =	vand.u32 $0x7, v3  }
0x81: {  	v3 =	vor.u32 v3, v4  }
0x82: {  	v4 =	vperm.xlane v3, v0;
	_ =	sdelay $0x1  }
0x83: {  	v4 =	vadd.s32 v1, v4;
	_ =	sdelay $0x3  }
0x84: {  	s11 =	simm.s32 $0xF100;
	v3 =	vperm.xlane v3, v2  }
0x85: {  	[tilespmem:s11], [sflag:$0x1] =	stream.indirect_vreg.gather [hbm4b:s3+s2], $0x80, v4, vm0, $0xb8;
	[tilespmem:$0x18100] =	vst v63  }
0x86: {  	s1 =	simm.s32 $0xF900;
	v3 =	vadd.s32 v1, v3  }
0x87: {  	[tilespmem:s1], [sflag:$0x1] =	stream.indirect_vreg.gather [hbm4b:s4+s2], $0x80, v4, vm0, $0xb8;
	[tilespmem:$0x18100] =	vst v63  }
0x88: {  	s11 =	simm.s32 $0x10100  }
0x89: {  	[tilespmem:s11], [sflag:$0x1] =	stream.indirect_vreg.gather [hbm4b:s5+s2], $0x80, v4, vm0, $0xb8;
	[tilespmem:$0x18100] =	vst v63  }
0x8a: {  	s1 =	simm.s32 $0x10900  }
0x8b: {  	[tilespmem:s1], [sflag:$0x1] =	stream.indirect_vreg.gather [hbm4b:s3+s2], $0x80, v3, vm0, $0xb8;
	[tilespmem:$0x18100] =	vst v63  }
0x8c: {  	s11 =	simm.s32 $0x11100  }
0x8d: {  	[tilespmem:s11], [sflag:$0x1] =	stream.indirect_vreg.gather [hbm4b:s4+s2], $0x80, v3, vm0, $0xb8;
	[tilespmem:$0x18100] =	vst v63  }
0x8e: {  	s1 =	simm.s32 $0x11900  }
0x8f: {  	[tilespmem:s1], [sflag:$0x1] =	stream.indirect_vreg.gather [hbm4b:s5+s2], $0x80, v3, vm0, $0xb8;
	[tilespmem:$0x18100] =	vst v63  }
0x90: {  	v3 =	vld [tilespmem:$0xA0];
	_ =	sdelay $0x4  }
0x91: {  	v54 =	vshrl.u32 v3, $0x3  }
0x92: {  	v4 =	vmul.u32 $0x30, v54  }
0x93: {  	v3 =	vand.u32 $0x7, v3  }
0x94: {  	v3 =	vor.u32 v3, v4  }
0x95: {  	v4 =	vperm.xlane v3, v0;
	_ =	sdelay $0x1  }
0x96: {  	v4 =	vadd.s32 v1, v4;
	_ =	sdelay $0x3  }
0x97: {  	v3 =	vperm.xlane v3, v2  }
0x98: {  	[tilespmem:s8], [sflag:$0x1] =	stream.indirect_vreg.gather [hbm4b:s3+s2], $0x80, v4, vm0, $0xb8;
	[tilespmem:$0x18100] =	vst v63  }
0x99: {  	s11 =	simm.s32 $0x12900;
	v3 =	vadd.s32 v1, v3  }
0x9a: {  	[tilespmem:s11], [sflag:$0x1] =	stream.indirect_vreg.gather [hbm4b:s4+s2], $0x80, v4, vm0, $0xb8;
	[tilespmem:$0x18100] =	vst v63  }
0x9b: {  	s1 =	simm.s32 $0x13100  }
0x9c: {  	[tilespmem:s1], [sflag:$0x1] =	stream.indirect_vreg.gather [hbm4b:s5+s2], $0x80, v4, vm0, $0xb8;
	[tilespmem:$0x18100] =	vst v63  }
0x9d: {  	s11 =	simm.s32 $0x13900  }
0x9e: {  	[tilespmem:s11], [sflag:$0x1] =	stream.indirect_vreg.gather [hbm4b:s3+s2], $0x80, v3, vm0, $0xb8;
	[tilespmem:$0x18100] =	vst v63  }
0x9f: {  	s1 =	simm.s32 $0x14100  }
0xa0: {  	[tilespmem:s1], [sflag:$0x1] =	stream.indirect_vreg.gather [hbm4b:s4+s2], $0x80, v3, vm0, $0xb8;
	[tilespmem:$0x18100] =	vst v63  }
0xa1: {  	s11 =	simm.s32 $0x14900  }
0xa2: {  	[tilespmem:s11], [sflag:$0x1] =	stream.indirect_vreg.gather [hbm4b:s5+s2], $0x80, v3, vm0, $0xb8;
	[tilespmem:$0x18100] =	vst v63  }
0xa3: {  	v3 =	vld [tilespmem:$0xB0];
	_ =	sdelay $0x4  }
0xa4: {  	v55 =	vshrl.u32 v3, $0x3  }
0xa5: {  	v4 =	vmul.u32 $0x30, v55  }
0xa6: {  	v3 =	vand.u32 $0x7, v3  }
0xa7: {  	v3 =	vor.u32 v3, v4  }
0xa8: {  	v4 =	vperm.xlane v3, v0;
	_ =	sdelay $0x1  }
0xa9: {  	v4 =	vadd.s32 v1, v4;
	_ =	sdelay $0x3  }
0xaa: {  	s1 =	simm.s32 $0x15100;
	v3 =	vperm.xlane v3, v2  }
0xab: {  	[tilespmem:s1], [sflag:$0x1] =	stream.indirect_vreg.gather [hbm4b:s3+s2], $0x80, v4, vm0, $0xb8;
	[tilespmem:$0x18100] =	vst v63  }
0xac: {  	s11 =	simm.s32 $0x15900;
	v3 =	vadd.s32 v1, v3  }
0xad: {  	[tilespmem:s11], [sflag:$0x1] =	stream.indirect_vreg.gather [hbm4b:s4+s2], $0x80, v4, vm0, $0xb8;
	[tilespmem:$0x18100] =	vst v63  }
0xae: {  	s1 =	simm.s32 $0x16100  }
0xaf: {  	[tilespmem:s1], [sflag:$0x1] =	stream.indirect_vreg.gather [hbm4b:s5+s2], $0x80, v4, vm0, $0xb8;
	[tilespmem:$0x18100] =	vst v63  }
0xb0: {  	s11 =	simm.s32 $0x16900  }
0xb1: {  	[tilespmem:s11], [sflag:$0x1] =	stream.indirect_vreg.gather [hbm4b:s3+s2], $0x80, v3, vm0, $0xb8;
	[tilespmem:$0x18100] =	vst v63  }
0xb2: {  	s1 =	simm.s32 $0x17100  }
0xb3: {  	[tilespmem:s1], [sflag:$0x1] =	stream.indirect_vreg.gather [hbm4b:s4+s2], $0x80, v3, vm0, $0xb8;
	[tilespmem:$0x18100] =	vst v63  }
0xb4: {  	s11 =	simm.s32 $0x17900  }
0xb5: {  	[tilespmem:s11], [sflag:$0x1] =	stream.indirect_vreg.gather [hbm4b:s5+s2], $0x80, v3, vm0, $0xb8;
	[tilespmem:$0x18100] =	vst v63  }
0xb6: {  	_ =	swait.ge [sflag:s10], $0x6000  }
0xb7: {  	[sflag:s10] =	ssyncset.done $0x0  }
0xb8: {  	[sflag:s10] =	ssyncadd.s32 $0xFFFFA000  }
0xb9: {  	_ =	swait.ge [sflag:s10], $0x6000  }
0xba: {  	[sflag:s10] =	ssyncset.done $0x0  }
0xbb: {  	s0 =	simm.s32 $0x100;
	s1 =	rddreg [dreg:$0x4];
	[sflag:s10] =	ssyncadd.s32 $0xFFFFA000  }
0xbc: {  	[hbm4b:s1+s2] =	stream.linear.scatter [tilespmem:s0], [sflag:$0x2], $0x6000, $0x38;
	[tilespmem:$0x18100] =	vst v63  }
0xbd: {  	_ =	swait.ge [sflag:s7], $0x6000  }
0xbe: {  	[sflag:s7] =	ssyncset.done $0x0  }
0xbf: {  	s1 =	simm.s32 $0x6100;
	s11 =	rddreg [dreg:$0x5];
	[sflag:s7] =	ssyncadd.s32 $0xFFFFA000  }
0xc0: {  	[hbm4b:s11+s2] =	stream.linear.scatter [tilespmem:s1], [sflag:$0x2], $0x6000, $0x38;
	[tilespmem:$0x18100] =	vst v63  }
0xc1: {  	_ =	swait.ge [sflag:s7], $0x6000  }
0xc2: {  	[sflag:s7] =	ssyncset.done $0x0  }
0xc3: {  	[sflag:s7] =	ssyncadd.s32 $0xFFFFA000  }
0xc4: {  	v3 =	vld [tilespmem:$0x40];
	_ =	sdelay $0x4  }
0xc5: {  	v56 =	vshrl.u32 v3, $0x3  }
0xc6: {  	v4 =	vmul.u32 $0x30, v56  }
0xc7: {  	v3 =	vand.u32 $0x7, v3  }
0xc8: {  	v3 =	vor.u32 v3, v4  }
0xc9: {  	v4 =	vperm.xlane v3, v0;
	_ =	sdelay $0x1  }
0xca: {  	v4 =	vadd.s32 v1, v4;
	_ =	sdelay $0x3  }
0xcb: {  	v3 =	vperm.xlane v3, v2  }
0xcc: {  	[tilespmem:s0], [sflag:$0x1] =	stream.indirect_vreg.gather [hbm4b:s3+s2], $0x80, v4, vm0, $0xb8;
	[tilespmem:$0x18100] =	vst v63  }
0xcd: {  	v3 =	vadd.s32 v1, v3  }
0xce: {  	[tilespmem:s12], [sflag:$0x1] =	stream.indirect_vreg.gather [hbm4b:s4+s2], $0x80, v4, vm0, $0xb8;
	[tilespmem:$0x18100] =	vst v63  }
0xcf: {  	_ = 	snop  }
0xd0: {  	[tilespmem:s13], [sflag:$0x1] =	stream.indirect_vreg.gather [hbm4b:s5+s2], $0x80, v4, vm0, $0xb8;
	[tilespmem:$0x18100] =	vst v63  }
0xd1: {  	_ = 	snop  }
0xd2: {  	[tilespmem:s14], [sflag:$0x1] =	stream.indirect_vreg.gather [hbm4b:s3+s2], $0x80, v3, vm0, $0xb8;
	[tilespmem:$0x18100] =	vst v63  }
0xd3: {  	_ = 	snop  }
0xd4: {  	[tilespmem:s15], [sflag:$0x1] =	stream.indirect_vreg.gather [hbm4b:s4+s2], $0x80, v3, vm0, $0xb8;
	[tilespmem:$0x18100] =	vst v63  }
0xd5: {  	_ = 	snop  }
0xd6: {  	[tilespmem:s16], [sflag:$0x1] =	stream.indirect_vreg.gather [hbm4b:s5+s2], $0x80, v3, vm0, $0xb8;
	[tilespmem:$0x18100] =	vst v63  }
0xd7: {  	v3 =	vld [tilespmem:$0x50];
	_ =	sdelay $0x4  }
0xd8: {  	v57 =	vshrl.u32 v3, $0x3  }
0xd9: {  	v4 =	vmul.u32 $0x30, v57  }
0xda: {  	v3 =	vand.u32 $0x7, v3  }
0xdb: {  	v3 =	vor.u32 v3, v4  }
0xdc: {  	v4 =	vperm.xlane v3, v0;
	_ =	sdelay $0x1  }
0xdd: {  	v4 =	vadd.s32 v1, v4;
	_ =	sdelay $0x3  }
0xde: {  	v3 =	vperm.xlane v3, v2  }
0xdf: {  	[tilespmem:s17], [sflag:$0x1] =	stream.indirect_vreg.gather [hbm4b:s3+s2], $0x80, v4, vm0, $0xb8;
	[tilespmem:$0x18100] =	vst v63  }
0xe0: {  	v3 =	vadd.s32 v1, v3  }
0xe1: {  	[tilespmem:s18], [sflag:$0x1] =	stream.indirect_vreg.gather [hbm4b:s4+s2], $0x80, v4, vm0, $0xb8;
	[tilespmem:$0x18100] =	vst v63  }
0xe2: {  	_ = 	snop  }
0xe3: {  	[tilespmem:s19], [sflag:$0x1] =	stream.indirect_vreg.gather [hbm4b:s5+s2], $0x80, v4, vm0, $0xb8;
	[tilespmem:$0x18100] =	vst v63  }
0xe4: {  	_ = 	snop  }
0xe5: {  	[tilespmem:s22], [sflag:$0x1] =	stream.indirect_vreg.gather [hbm4b:s3+s2], $0x80, v3, vm0, $0xb8;
	[tilespmem:$0x18100] =	vst v63  }
0xe6: {  	_ = 	snop  }
0xe7: {  	[tilespmem:s23], [sflag:$0x1] =	stream.indirect_vreg.gather [hbm4b:s4+s2], $0x80, v3, vm0, $0xb8;
	[tilespmem:$0x18100] =	vst v63  }
0xe8: {  	_ = 	snop  }
0xe9: {  	[tilespmem:s24], [sflag:$0x1] =	stream.indirect_vreg.gather [hbm4b:s5+s2], $0x80, v3, vm0, $0xb8;
	[tilespmem:$0x18100] =	vst v63  }
0xea: {  	v3 =	vld [tilespmem:$0xC0];
	_ =	sdelay $0x4  }
0xeb: {  	v58 =	vshrl.u32 v3, $0x3  }
0xec: {  	v4 =	vmul.u32 $0x30, v58  }
0xed: {  	v3 =	vand.u32 $0x7, v3  }
0xee: {  	v3 =	vor.u32 v3, v4  }
0xef: {  	v4 =	vperm.xlane v3, v0;
	_ =	sdelay $0x1  }
0xf0: {  	v4 =	vadd.s32 v1, v4;
	_ =	sdelay $0x3  }
0xf1: {  	v3 =	vperm.xlane v3, v2  }
0xf2: {  	[tilespmem:s1], [sflag:$0x1] =	stream.indirect_vreg.gather [hbm4b:s3+s2], $0x80, v4, vm0, $0xb8;
	[tilespmem:$0x18100] =	vst v63  }
0xf3: {  	v3 =	vadd.s32 v1, v3  }
0xf4: {  	[tilespmem:s25], [sflag:$0x1] =	stream.indirect_vreg.gather [hbm4b:s4+s2], $0x80, v4, vm0, $0xb8;
	[tilespmem:$0x18100] =	vst v63  }
0xf5: {  	_ = 	snop  }
0xf6: {  	[tilespmem:s26], [sflag:$0x1] =	stream.indirect_vreg.gather [hbm4b:s5+s2], $0x80, v4, vm0, $0xb8;
	[tilespmem:$0x18100] =	vst v63  }
0xf7: {  	_ = 	snop  }
0xf8: {  	[tilespmem:s28], [sflag:$0x1] =	stream.indirect_vreg.gather [hbm4b:s3+s2], $0x80, v3, vm0, $0xb8;
	[tilespmem:$0x18100] =	vst v63  }
0xf9: {  	_ = 	snop  }
0xfa: {  	[tilespmem:s29], [sflag:$0x1] =	stream.indirect_vreg.gather [hbm4b:s4+s2], $0x80, v3, vm0, $0xb8;
	[tilespmem:$0x18100] =	vst v63  }
0xfb: {  	_ = 	snop  }
0xfc: {  	[tilespmem:s30], [sflag:$0x1] =	stream.indirect_vreg.gather [hbm4b:s5+s2], $0x80, v3, vm0, $0xb8;
	[tilespmem:$0x18100] =	vst v63  }
0xfd: {  	v3 =	vld [tilespmem:$0xD0];
	_ =	sdelay $0x4  }
0xfe: {  	v59 =	vshrl.u32 v3, $0x3  }
0xff: {  	v4 =	vmul.u32 $0x30, v59  }
0x100: {  	v3 =	vand.u32 $0x7, v3  }
0x101: {  	v3 =	vor.u32 v3, v4  }
0x102: {  	v4 =	vperm.xlane v3, v0;
	_ =	sdelay $0x1  }
0x103: {  	v4 =	vadd.s32 v1, v4;
	_ =	sdelay $0x3  }
0x104: {  	v3 =	vperm.xlane v3, v2  }
0x105: {  	[tilespmem:s31], [sflag:$0x1] =	stream.indirect_vreg.gather [hbm4b:s3+s2], $0x80, v4, vm0, $0xb8;
	[tilespmem:$0x18100] =	vst v63  }
0x106: {  	v3 =	vadd.s32 v1, v3  }
0x107: {  	[tilespmem:s20], [sflag:$0x1] =	stream.indirect_vreg.gather [hbm4b:s4+s2], $0x80, v4, vm0, $0xb8;
	[tilespmem:$0x18100] =	vst v63  }
0x108: {  	s11 =	simm.s32 $0xA100  }
0x109: {  	[tilespmem:s11], [sflag:$0x1] =	stream.indirect_vreg.gather [hbm4b:s5+s2], $0x80, v4, vm0, $0xb8;
	[tilespmem:$0x18100] =	vst v63  }
0x10a: {  	s11 =	simm.s32 $0xA900  }
0x10b: {  	[tilespmem:s11], [sflag:$0x1] =	stream.indirect_vreg.gather [hbm4b:s3+s2], $0x80, v3, vm0, $0xb8;
	[tilespmem:$0x18100] =	vst v63  }
0x10c: {  	_ = 	snop  }
0x10d: {  	[tilespmem:s21], [sflag:$0x1] =	stream.indirect_vreg.gather [hbm4b:s4+s2], $0x80, v3, vm0, $0xb8;
	[tilespmem:$0x18100] =	vst v63  }
0x10e: {  	s11 =	simm.s32 $0xB900  }
0x10f: {  	[tilespmem:s11], [sflag:$0x1] =	stream.indirect_vreg.gather [hbm4b:s5+s2], $0x80, v3, vm0, $0xb8;
	[tilespmem:$0x18100] =	vst v63  }
0x110: {  	_ =	swait.ge [sflag:s10], $0x6000  }
0x111: {  	[sflag:s10] =	ssyncset.done $0x0  }
0x112: {  	[sflag:s10] =	ssyncadd.s32 $0xFFFFA000  }
0x113: {  	_ =	swait.ge [sflag:s10], $0x6000  }
0x114: {  	[sflag:s10] =	ssyncset.done $0x0  }
0x115: {  	s1 =	rddreg [dreg:$0x6];
	[sflag:s10] =	ssyncadd.s32 $0xFFFFA000  }
0x116: {  	[hbm4b:s1+s2] =	stream.linear.scatter [tilespmem:s9], [sflag:$0x2], $0x6000, $0x38;
	[tilespmem:$0x18100] =	vst v63  }
0x117: {  	_ =	swait.ge [sflag:s7], $0x6000  }
0x118: {  	[sflag:s7] =	ssyncset.done $0x0  }
0x119: {  	s1 =	rddreg [dreg:$0x7];
	[sflag:s7] =	ssyncadd.s32 $0xFFFFA000  }
0x11a: {  	[hbm4b:s1+s2] =	stream.linear.scatter [tilespmem:s8], [sflag:$0x2], $0x6000, $0x38;
	[tilespmem:$0x18100] =	vst v63  }
0x11b: {  	_ =	swait.ge [sflag:s7], $0x6000  }
0x11c: {  	[sflag:s7] =	ssyncset.done $0x0  }
0x11d: {  	[sflag:s7] =	ssyncadd.s32 $0xFFFFA000  }
0x11e: {  	v3 =	vld [tilespmem:$0x60];
	_ =	sdelay $0x4  }
0x11f: {  	v60 =	vshrl.u32 v3, $0x3  }
0x120: {  	v4 =	vmul.u32 $0x30, v60  }
0x121: {  	v3 =	vand.u32 $0x7, v3  }
0x122: {  	v3 =	vor.u32 v3, v4  }
0x123: {  	v4 =	vperm.xlane v3, v0;
	_ =	sdelay $0x1  }
0x124: {  	v4 =	vadd.s32 v1, v4;
	_ =	sdelay $0x3  }
0x125: {  	v3 =	vperm.xlane v3, v2  }
0x126: {  	[tilespmem:s9], [sflag:$0x1] =	stream.indirect_vreg.gather [hbm4b:s3+s2], $0x80, v4, vm0, $0xb8;
	[tilespmem:$0x18100] =	vst v63  }
0x127: {  	s11 =	simm.s32 $0xC900;
	v3 =	vadd.s32 v1, v3  }
0x128: {  	[tilespmem:s11], [sflag:$0x1] =	stream.indirect_vreg.gather [hbm4b:s4+s2], $0x80, v4, vm0, $0xb8;
	[tilespmem:$0x18100] =	vst v63  }
0x129: {  	s11 =	simm.s32 $0xD100  }
0x12a: {  	[tilespmem:s11], [sflag:$0x1] =	stream.indirect_vreg.gather [hbm4b:s5+s2], $0x80, v4, vm0, $0xb8;
	[tilespmem:$0x18100] =	vst v63  }
0x12b: {  	s11 =	simm.s32 $0xD900  }
0x12c: {  	[tilespmem:s11], [sflag:$0x1] =	stream.indirect_vreg.gather [hbm4b:s3+s2], $0x80, v3, vm0, $0xb8;
	[tilespmem:$0x18100] =	vst v63  }
0x12d: {  	s11 =	simm.s32 $0xE100  }
0x12e: {  	[tilespmem:s11], [sflag:$0x1] =	stream.indirect_vreg.gather [hbm4b:s4+s2], $0x80, v3, vm0, $0xb8;
	[tilespmem:$0x18100] =	vst v63  }
0x12f: {  	s11 =	simm.s32 $0xE900  }
0x130: {  	[tilespmem:s11], [sflag:$0x1] =	stream.indirect_vreg.gather [hbm4b:s5+s2], $0x80, v3, vm0, $0xb8;
	[tilespmem:$0x18100] =	vst v63  }
0x131: {  	v3 =	vld [tilespmem:$0x70];
	_ =	sdelay $0x4  }
0x132: {  	v61 =	vshrl.u32 v3, $0x3  }
0x133: {  	v4 =	vmul.u32 $0x30, v61  }
0x134: {  	v3 =	vand.u32 $0x7, v3  }
0x135: {  	v3 =	vor.u32 v3, v4  }
0x136: {  	v4 =	vperm.xlane v3, v0;
	_ =	sdelay $0x1  }
0x137: {  	v4 =	vadd.s32 v1, v4;
	_ =	sdelay $0x3  }
0x138: {  	s11 =	simm.s32 $0xF100;
	v3 =	vperm.xlane v3, v2  }
0x139: {  	[tilespmem:s11], [sflag:$0x1] =	stream.indirect_vreg.gather [hbm4b:s3+s2], $0x80, v4, vm0, $0xb8;
	[tilespmem:$0x18100] =	vst v63  }
0x13a: {  	v3 =	vadd.s32 v1, v3;
	s11 =	simm.s32 $0xF900  }
0x13b: {  	[tilespmem:s11], [sflag:$0x1] =	stream.indirect_vreg.gather [hbm4b:s4+s2], $0x80, v4, vm0, $0xb8;
	[tilespmem:$0x18100] =	vst v63  }
0x13c: {  	s11 =	simm.s32 $0x10100  }
0x13d: {  	[tilespmem:s11], [sflag:$0x1] =	stream.indirect_vreg.gather [hbm4b:s5+s2], $0x80, v4, vm0, $0xb8;
	[tilespmem:$0x18100] =	vst v63  }
0x13e: {  	s11 =	simm.s32 $0x10900  }
0x13f: {  	[tilespmem:s11], [sflag:$0x1] =	stream.indirect_vreg.gather [hbm4b:s3+s2], $0x80, v3, vm0, $0xb8;
	[tilespmem:$0x18100] =	vst v63  }
0x140: {  	s11 =	simm.s32 $0x11100  }
0x141: {  	[tilespmem:s11], [sflag:$0x1] =	stream.indirect_vreg.gather [hbm4b:s4+s2], $0x80, v3, vm0, $0xb8;
	[tilespmem:$0x18100] =	vst v63  }
0x142: {  	s11 =	simm.s32 $0x11900  }
0x143: {  	[tilespmem:s11], [sflag:$0x1] =	stream.indirect_vreg.gather [hbm4b:s5+s2], $0x80, v3, vm0, $0xb8;
	[tilespmem:$0x18100] =	vst v63  }
0x144: {  	v3 =	vld [tilespmem:$0xE0];
	_ =	sdelay $0x4  }
0x145: {  	v62 =	vshrl.u32 v3, $0x3  }
0x146: {  	v4 =	vmul.u32 $0x30, v62  }
0x147: {  	v3 =	vand.u32 $0x7, v3  }
0x148: {  	v3 =	vor.u32 v3, v4  }
0x149: {  	v4 =	vperm.xlane v3, v0;
	_ =	sdelay $0x1  }
0x14a: {  	v4 =	vadd.s32 v1, v4;
	_ =	sdelay $0x3  }
0x14b: {  	v3 =	vperm.xlane v3, v2  }
0x14c: {  	[tilespmem:s8], [sflag:$0x1] =	stream.indirect_vreg.gather [hbm4b:s3+s2], $0x80, v4, vm0, $0xb8;
	[tilespmem:$0x18100] =	vst v63  }
0x14d: {  	s11 =	simm.s32 $0x12900;
	v3 =	vadd.s32 v1, v3  }
0x14e: {  	[tilespmem:s11], [sflag:$0x1] =	stream.indirect_vreg.gather [hbm4b:s4+s2], $0x80, v4, vm0, $0xb8;
	[tilespmem:$0x18100] =	vst v63  }
0x14f: {  	s11 =	simm.s32 $0x13100  }
0x150: {  	[tilespmem:s11], [sflag:$0x1] =	stream.indirect_vreg.gather [hbm4b:s5+s2], $0x80, v4, vm0, $0xb8;
	[tilespmem:$0x18100] =	vst v63  }
0x151: {  	s11 =	simm.s32 $0x13900  }
0x152: {  	[tilespmem:s11], [sflag:$0x1] =	stream.indirect_vreg.gather [hbm4b:s3+s2], $0x80, v3, vm0, $0xb8;
	[tilespmem:$0x18100] =	vst v63  }
0x153: {  	s11 =	simm.s32 $0x14100  }
0x154: {  	[tilespmem:s11], [sflag:$0x1] =	stream.indirect_vreg.gather [hbm4b:s4+s2], $0x80, v3, vm0, $0xb8;
	[tilespmem:$0x18100] =	vst v63  }
0x155: {  	s11 =	simm.s32 $0x14900  }
0x156: {  	[tilespmem:s11], [sflag:$0x1] =	stream.indirect_vreg.gather [hbm4b:s5+s2], $0x80, v3, vm0, $0xb8;
	[tilespmem:$0x18100] =	vst v63  }
0x157: {  	v3 =	vld [tilespmem:$0xF0];
	_ =	sdelay $0x4  }
0x158: {  	v63 =	vshrl.u32 v3, $0x3  }
0x159: {  	v4 =	vmul.u32 $0x30, v63  }
0x15a: {  	v3 =	vand.u32 $0x7, v3  }
0x15b: {  	v3 =	vor.u32 v3, v4  }
0x15c: {  	v4 =	vperm.xlane v3, v0;
	_ =	sdelay $0x1  }
0x15d: {  	v4 =	vadd.s32 v1, v4;
	_ =	sdelay $0x3  }
0x15e: {  	s11 =	simm.s32 $0x15100;
	v3 =	vperm.xlane v3, v2  }
0x15f: {  	[tilespmem:s11], [sflag:$0x1] =	stream.indirect_vreg.gather [hbm4b:s3+s2], $0x80, v4, vm0, $0xb8;
	[tilespmem:$0x18100] =	vst v63  }
0x160: {  	v3 =	vadd.s32 v1, v3;
	s11 =	simm.s32 $0x15900  }
0x161: {  	[tilespmem:s11], [sflag:$0x1] =	stream.indirect_vreg.gather [hbm4b:s4+s2], $0x80, v4, vm0, $0xb8;
	[tilespmem:$0x18100] =	vst v63  }
0x162: {  	s11 =	simm.s32 $0x16100  }
0x163: {  	[tilespmem:s11], [sflag:$0x1] =	stream.indirect_vreg.gather [hbm4b:s5+s2], $0x80, v4, vm0, $0xb8;
	[tilespmem:$0x18100] =	vst v63  }
0x164: {  	s11 =	simm.s32 $0x16900  }
0x165: {  	[tilespmem:s11], [sflag:$0x1] =	stream.indirect_vreg.gather [hbm4b:s3+s2], $0x80, v3, vm0, $0xb8;
	[tilespmem:$0x18100] =	vst v63  }
0x166: {  	s11 =	simm.s32 $0x17100  }
0x167: {  	[tilespmem:s11], [sflag:$0x1] =	stream.indirect_vreg.gather [hbm4b:s4+s2], $0x80, v3, vm0, $0xb8;
	[tilespmem:$0x18100] =	vst v63  }
0x168: {  	s11 =	simm.s32 $0x17900  }
0x169: {  	[tilespmem:s11], [sflag:$0x1] =	stream.indirect_vreg.gather [hbm4b:s5+s2], $0x80, v3, vm0, $0xb8;
	[tilespmem:$0x18100] =	vst v63  }
0x16a: {  	_ =	swait.ge [sflag:s10], $0x6000  }
0x16b: {  	[sflag:s10] =	ssyncset.done $0x0  }
0x16c: {  	[sflag:s10] =	ssyncadd.s32 $0xFFFFA000  }
0x16d: {  	_ =	swait.ge [sflag:s10], $0x6000  }
0x16e: {  	[sflag:s10] =	ssyncset.done $0x0  }
0x16f: {  	s1 =	simm.s32 $0x100;
	s11 =	rddreg [dreg:$0x8];
	[sflag:s10] =	ssyncadd.s32 $0xFFFFA000  }
0x170: {  	[hbm4b:s11+s2] =	stream.linear.scatter [tilespmem:s1], [sflag:$0x2], $0x6000, $0x38;
	[tilespmem:$0x18100] =	vst v63  }
0x171: {  	_ =	swait.ge [sflag:s7], $0x6000  }
0x172: {  	[sflag:s7] =	ssyncset.done $0x0  }
0x173: {  	s0 =	simm.s32 $0x6100;
	s1 =	rddreg [dreg:$0x9];
	[sflag:s7] =	ssyncadd.s32 $0xFFFFA000  }
0x174: {  	[hbm4b:s1+s2] =	stream.linear.scatter [tilespmem:s0], [sflag:$0x2], $0x6000, $0x38;
	[tilespmem:$0x18100] =	vst v63  }
0x175: {  	_ =	swait.ge [sflag:s7], $0x6000  }
0x176: {  	[sflag:s7] =	ssyncset.done $0x0  }
0x177: {  	[sflag:s7] =	ssyncadd.s32 $0xFFFFA000  }
0x178: {  	_ =	swait.ge [sflag:s10], $0x6000  }
0x179: {  	[sflag:s10] =	ssyncset.done $0x0  }
0x17a: {  	[sflag:s10] =	ssyncadd.s32 $0xFFFFA000  }
0x17b: {  	_ =	swait.ge [sflag:s10], $0x6000  }
0x17c: {  	[sflag:s10] =	ssyncset.done $0x0  }
0x17d: {  	s0 =	rddreg [dreg:$0xa];
	[sflag:s10] =	ssyncadd.s32 $0xFFFFA000  }
0x17e: {  	[hbm4b:s0+s2] =	stream.linear.scatter [tilespmem:s9], [sflag:$0x2], $0x6000, $0x38;
	[tilespmem:$0x18100] =	vst v63  }
0x17f: {  	_ =	swait.ge [sflag:s7], $0x6000  }
0x180: {  	p0 =	sne.s32 s6, $0x1;
	[sflag:s7] =	ssyncset.done $0x0  }
.Ltmp0:
0x181: {  	s1 =	rddreg [dreg:$0xb];
	[sflag:s7] =	ssyncadd.s32 $0xFFFFA000;
	(pc) =	sbr.rel @p0 .LBB2_1-.Ltmp0, $4  }
0x182: {  	[hbm4b:s1+s2] =	stream.linear.scatter [tilespmem:s8], [sflag:$0x2], $0x6000, $0x38;
	[tilespmem:$0x18100] =	vst v63  }
0x183: {  	_ =	swait.ge [sflag:s7], $0x6000  }
0x184: {  	[sflag:s7] =	ssyncset.done $0x0  }
0x185: {  	s6 =	sadd.s32 $0xFFFFFFFF, s6;
	[sflag:s7] =	ssyncadd.s32 $0xFFFFA000  }
0x186: {  	_ =	sfence.sel $0x180000  }
0x187: {  	[bflag:$0x0] =	sbarrier.arrive $0xFFFF  }
0x188: {  	_ =	strace $0x9000004A  }
0x189: {  	s0 =	stileid.u32;
	[bflag:$0x2] =	sbarrier.arrive $0xFFFF  }
0x18a: {  	p0 =	sne.s32 s0, $0x0;
	s0 =	rddreg [dreg:$0x2]  }
0x18b: {  	s0 =	sadd.s32 @!p0 $0x100000, s0  }
0x18c: {  	[sflag:s0] =	ssyncadd.tile.s32 @!p0 $0x1;
	_ =	shalt  }
.Lfunc_end2:
_tile_overlayer_lowered:
.L_overlay_start_2:
0x18d: {  	(tag) =	ssettag $0x2  }
0x18e: {  	s0 =	rddreg [dreg:$0x0];
	s2 =	stileid.u32  }
0x18f: {  	s1 =	rddreg [dreg:$0x1];
	p0 =	sne.s32 s2, $0x0  }
0x190: {  	s3 =	rddreg [dreg:$0x2];
	[bflag:$0x3] =	sbarrier.arrive $0xFFFF;
	s2 =	simm.s32 @!p0 $0x1C02  }
0x191: {  	[timem:s3], [sflag:s2] =	dma.local @!p0 [hbm:s0], s1  }
0x192: {  	s0 =	simm.s32 @!p0 $0x2  }
0x193: {  	_ =	swait.ge @!p0 [sflag:s0], s1  }
0x194: {  	s1 =	ssub.s32 @!p0 $0x0, s1;
	[sflag:s0] =	ssyncset.done @!p0 $0x0  }
0x195: {  	[sflag:s0] =	ssyncadd.s32 @!p0 s1  }
0x196: {  	[bflag:$0x3] =	sbarrier.arrive $0xFFFF  }
0x197: {  	_ =	shalt  }

// kernel: kernel.8.cloned.1.call-start
scs
__scs_entry_jumppad:
0x0: {  	(pc) =	sbr.rel $0x88, $3  }
0x1: {  	(tag) =	ssettag $0x0;
	lr =	simm.s32 $0x1  }
0x2: {  	[smem:$0x3F97] =	sst lr;
	_ =	strace $0xD0000000  }
0x3: {  	_ = 	snop  }
0x4: {  	_ = 	snop  }
0x5: {  	_ = 	snop  }
0x6: {  	_ = 	snop  }
0x7: {  	_ = 	snop  }
__scs_overlays_trampoline_lowered:
0x8: {  	[smem:$0x3FA6] =	sst s0  }
0x9: {  	[smem:$0x3FA7] =	sst s1  }
0xa: {  	[smem:$0x3FA8] =	sst s2  }
0xb: {  	[smem:$0x3FA9] =	sst s3  }
0xc: {  	[smem:$0x3FAA] =	sst s4  }
0xd: {  	[smem:$0x3FAB] =	sst s5  }
0xe: {  	[smem:$0x3FAC] =	sst s6  }
0xf: {  	[smem:$0x3FAD] =	sst s7  }
0x10: {  	[smem:$0x3FAE] =	sst s8  }
0x11: {  	[smem:$0x3FAF] =	sst s9;
	s0 =	simm.s32 @!p0 $0x0  }
0x12: {  	s1 =	sld [smem:$0x3F95];
	s0 =	simm.s32 @p0 $0x1  }
0x13: {  	[smem:$0x3FB0] =	sst s0;
	s0 =	simm.s32 @!p1 $0x0  }
0x14: {  	s2 =	sld [smem:$0x3F94];
	s0 =	simm.s32 @p1 $0x1  }
0x15: {  	[smem:$0x3FB1] =	sst s0;
	s0 =	simm.s32 @!p2 $0x0  }
0x16: {  	s3 =	sld [smem:$0x3FDB];
	s0 =	simm.s32 @p2 $0x1  }
0x17: {  	s4 =	simm.s32 $0x1BF5;
	[smem:$0x3FB3] =	sst s0  }
0x18: {  	s0 =	sld [smem:$0x3F96];
	_ =	swait.ge [sflag:s4], $0x0  }
0x19: {  	s7 =	sld [smem:$0x3F97]  }
0x1a: {  	s8 =	sadd.s32 $0xFFFFE003, lr  }
0x1b: {  	s9 =	sadd.s32 $0xFFFFFEF7, lr;
	s5 =	simm.s32 $0xFFFFFFFF;
	p2 =	slt.u32 s8, $0xFFFFF086  }
0x1c: {  	p1 =	slt.u32 s9, $0xF7A;
	s5 =	simm.s32 @!p2 $0x0  }
0x1d: {  	s5 =	simm.s32 @p1 $0x1;
	p0 =	seq.s32 s7, s2  }
0x1e: {  	s7 =	smul.u32 @!p0 $0xF7A, s2;
	p2 =	seq.s32 @!p0 s5, $0x0  }
0x1f: {  	s9 =	smul.u32 $0xF7A, s1;
	s8 =	simm.s32 @!p0 $0x1BF5;
	p2 =	por !p2, p0  }
0x20: {  	[sflag:s8] =	ssyncset.s32 @!p0 $0xFFFFF086;
	s6 =	sadd.s32 @!p0 s3, s7;
	s7 =	simm.s32 @!p0 $0x108  }
0x21: {  	s3 =	sadd.s32 s3, s9;
	s6 =	sadd.s32 @!p0 $0x88, s6;
	s7 =	simm.s32 @p2 $0x1082  }
0x22: {  	[simem:s7], [sflag:s8] =	dma.local @!p0 [hbm:s6], $0xF7A  }
0x23: {  	s9 =	sor.u32 $0xD0000000, s2;
	s6 =	simm.s32 $0x108;
	_ =	swait.ge @!p0 [sflag:s8], $0x0  }
0x24: {  	s3 =	sadd.s32 $0x88, s3;
	s6 =	simm.s32 @!p1 $0x1082;
	[sflag:s4] =	ssyncset.s32 $0xFFFFF086  }
0x25: {  	[simem:s6], [sflag:s4] =	dma.local [hbm:s3], $0xF7A  }
0x26: {  	[smem:$0x3F97] =	sst s1;
	(tag) =	ssettag s2;
	_ =	strace s9  }
0x27: {  	s1 =	sld [smem:$0x3FA7]  }
0x28: {  	s2 =	sld [smem:$0x3FA8]  }
0x29: {  	s4 =	sld [smem:$0x3FAA]  }
0x2a: {  	p0 =	seq.s32 s5, $0x0;
	s5 =	sld [smem:$0x3FAB]  }
0x2b: {  	s6 =	sld [smem:$0x3FAC]  }
0x2c: {  	s7 =	sld [smem:$0x3FAD]  }
0x2d: {  	s3 =	simm.s32 $0x108;
	s8 =	sld [smem:$0x3FAE]  }
0x2e: {  	s3 =	simm.s32 @!p0 $0x1082;
	s9 =	sld [smem:$0x3FAF]  }
0x2f: {  	lr =	sadd.s32 s0, s3;
	s0 =	sld [smem:$0x3FA6]  }
0x30: {  	s3 =	sld [smem:$0x3FA9]  }
0x31: {  	[smem:$0x3FB2] =	sst s10  }
0x32: {  	s10 =	sld [smem:$0x3FB0];
	_ =	sdelay $0x3  }
0x33: {  	p0 =	seq.s32 s10, $0x1;
	s10 =	sld [smem:$0x3FB2];
	_ =	sdelay $0x3  }
0x34: {  	[smem:$0x3FB2] =	sst s10  }
0x35: {  	s10 =	sld [smem:$0x3FB1];
	_ =	sdelay $0x3  }
0x36: {  	p1 =	seq.s32 s10, $0x1;
	s10 =	sld [smem:$0x3FB2];
	_ =	sdelay $0x3  }
0x37: {  	[smem:$0x3FB2] =	sst s10  }
0x38: {  	s10 =	sld [smem:$0x3FB3]  }
0x39: {  	_ = 	snop;
	(pc) =	sbr.ind lr, $3  }
0x3a: {  	_ = 	snop  }
0x3b: {  	_ = 	snop  }
0x3c: {  	p2 =	seq.s32 s10, $0x1;
	s10 =	sld [smem:$0x3FB2]  }
0x3d: {  	_ =	shalt  }
0x3e: {  	_ =	shalt  }
0x3f: {  	_ =	shalt  }
0x40: {  	_ =	shalt  }
0x41: {  	_ =	shalt  }
0x42: {  	_ =	shalt  }
0x43: {  	_ =	shalt  }
0x44: {  	_ =	shalt  }
0x45: {  	_ =	shalt  }
0x46: {  	_ =	shalt  }
0x47: {  	_ =	shalt  }
0x48: {  	_ =	shalt  }
0x49: {  	_ =	shalt  }
0x4a: {  	_ =	shalt  }
0x4b: {  	_ =	shalt  }
0x4c: {  	_ =	shalt  }
0x4d: {  	_ =	shalt  }
0x4e: {  	_ =	shalt  }
0x4f: {  	_ =	shalt  }
0x50: {  	_ =	shalt  }
0x51: {  	_ =	shalt  }
0x52: {  	_ =	shalt  }
0x53: {  	_ =	shalt  }
0x54: {  	_ =	shalt  }
0x55: {  	_ =	shalt  }
0x56: {  	_ =	shalt  }
0x57: {  	_ =	shalt  }
0x58: {  	_ =	shalt  }
0x59: {  	_ =	shalt  }
0x5a: {  	_ =	shalt  }
0x5b: {  	_ =	shalt  }
0x5c: {  	_ =	shalt  }
0x5d: {  	_ =	shalt  }
0x5e: {  	_ =	shalt  }
0x5f: {  	_ =	shalt  }
0x60: {  	_ =	shalt  }
0x61: {  	_ =	shalt  }
0x62: {  	_ =	shalt  }
0x63: {  	_ =	shalt  }
0x64: {  	_ =	shalt  }
0x65: {  	_ =	shalt  }
0x66: {  	_ =	shalt  }
0x67: {  	_ =	shalt  }
0x68: {  	_ =	shalt  }
0x69: {  	_ =	shalt  }
0x6a: {  	_ =	shalt  }
0x6b: {  	_ =	shalt  }
0x6c: {  	_ =	shalt  }
0x6d: {  	_ =	shalt  }
0x6e: {  	_ =	shalt  }
0x6f: {  	_ =	shalt  }
0x70: {  	_ =	shalt  }
0x71: {  	_ =	shalt  }
0x72: {  	_ =	shalt  }
0x73: {  	_ =	shalt  }
0x74: {  	_ =	shalt  }
0x75: {  	_ =	shalt  }
0x76: {  	_ =	shalt  }
0x77: {  	_ =	shalt  }
0x78: {  	_ =	shalt  }
0x79: {  	_ =	shalt  }
0x7a: {  	_ =	shalt  }
0x7b: {  	_ =	shalt  }
0x7c: {  	_ =	shalt  }
0x7d: {  	_ =	shalt  }
0x7e: {  	_ =	shalt  }
0x7f: {  	_ =	shalt  }
0x80: {  	_ =	shalt  }
0x81: {  	_ =	shalt  }
0x82: {  	_ =	shalt  }
0x83: {  	_ =	shalt  }
0x84: {  	_ =	shalt  }
0x85: {  	_ =	shalt  }
0x86: {  	_ =	shalt  }
0x87: {  	_ =	shalt  }
.Lfunc_end0:
.L_simem_size_0:
called_computation_lowered:
.L_overlay_start_0:
0x88: {  	s2 =	sld [smem:$0x3FD9]  }
0x89: {  	s3 =	sld [smem:$0x3FFE];
	_ =	sdelay $0x1  }
0x8a: {  	s1 =	srdreg.scid  }
0x8b: {  	s0 =	sand.u32 $0x1, s1  }
0x8c: {  	s14 =	sshll.u32 s0, $0xA;
	s2 =	sadd.s32 s3, s2  }
0x8d: {  	s2 =	sadd.s32 s2, s14  }
0x8e: {  	[smem:$0x3FBE] =	sst s2  }
0x8f: {  	_ = 	snop  }
0x90: {  	s2 =	sld [smem:$0x3FD0];
	_ =	sdelay $0x2  }
0x91: {  	s15 =	simm.s32 $0xA;
	s4 =	simm.s32 $0x10  }
0x92: {  	[smem:s4], [sflag:s15] =	dma.local [hbm:s2], $0x1  }
0x93: {  	_ =	swait.eq [sflag:s15], $0x1  }
0x94: {  	[sflag:s15] =	ssyncset.done $0x0  }
0x95: {  	[sflag:s15] =	ssyncadd.s32 $0xFFFFFFFF  }
0x96: {  	s16 =	sld [smem:$0x10];
	(tm) =	ssettm $0x1  }
0x97: {  	s17 =	sld [smem:$0x3FFB];
	_ =	sdelay $0x3  }
0x98: {  	_ =	strace s17  }
0x99: {  	s3 =	sld [smem:$0x3FFC];
	_ =	sdelay $0x3  }
0x9a: {  	_ =	strace s3  }
0x9b: {  	s3 =	sld [smem:$0x3FFD];
	_ =	sdelay $0x3  }
0x9c: {  	_ =	strace s3  }
0x9d: {  	_ =	strace $0x8FFFFFFF  }
0x9e: {  	s18 =	sld [smem:$0x3FDB];
	_ =	sdelay $0x1  }
0x9f: {  	s19 =	simm.s32 $_scs_section_size  }
0xa0: {  	s5 =	simm.s32 $_size__tile_overlayer_lowered;
	s6 =	simm.s32 $_tile_overlayer_lowered  }
0xa1: {  	s22 =	simm.s32 $0x1BFF;
	s21 =	sshll.u32 s6, $0x1;
	s3 =	sadd.s32 s19, s18  }
0xa2: {  	s7 =	simm.s32 $0x0;
	s20 =	sshll.u32 s5, $0x1;
	s5 =	sadd.s32 s21, s3  }
0xa3: {  	[timem:s7], [sflag:s22] =	dma.local [hbm:s5], s20  }
0xa4: {  	_ =	swait.ge [sflag:s22], s20  }
0xa5: {  	s4 =	ssub.s32 $0x0, s20;
	[sflag:s22] =	ssyncset.done $0x0  }
0xa6: {  	[sflag:s22] =	ssyncadd.s32 s4;
	_ =	sdelay $0x1  }
0xa7: {  	s23 =	simm.s32 $0x1B8B  }
0xa8: {  	_ =	swait.ge [sflag:s23], $0x1  }
0xa9: {  	[sflag:s23] =	ssyncset.done $0x0  }
0xaa: {  	s25 =	simm.s32 $0x1B8E;
	s24 =	sld [smem:$0x3FFE];
	[sflag:s23] =	ssyncadd.s32 $0xFFFFFFFF  }
0xab: {  	s26 =	simm.s32 $execute0_lowered;
	[smem:$0x3FD2] =	sst s25  }
0xac: {  	s5 =	sshll.u32 s26, $0x1;
	_ =	strace $0x80000046;
	[dreg:$0x1] =	wrdreg $0xFFFFFFFF  }
0xad: {  	s28 =	simm.s32 $_size_execute0_lowered;
	s3 =	sadd.s32 s3, s5;
	[dreg:$0x0] =	wrdreg $0x0  }
0xae: {  	s5 =	sshll.u32 s28, $0x1;
	[dreg:$0x2] =	wrdreg s3  }
0xaf: {  	[dreg:$0x3] =	wrdreg s5  }
0xb0: {  	[dreg:$0x4] =	wrdreg $0xC0  }
0xb1: {  	_ =	task [dreg:s7], $0x5FFFF  }
0xb2: {  	[dreg:$0x1] =	wrdreg $0xFFFFFFFF  }
0xb3: {  	[dreg:$0x0] =	wrdreg $0x60  }
0xb4: {  	[dreg:$0x2] =	wrdreg s24  }
0xb5: {  	[dreg:$0x3] =	wrdreg s16  }
0xb6: {  	[dreg:$0x4] =	wrdreg $0x9  }
0xb7: {  	_ =	task.clear_ibuf [dreg:s7], $0x5FFFF;
	_ =	strace $0x90000046  }
0xb8: {  	s29 =	simm.s32 $0x9;
	_ =	strace $0x80000048  }
0xb9: {  	_ =	swait.ge [sflag:s29], $0x1  }
0xba: {  	[sflag:s29] =	ssyncadd.s32 $0xFFFFFFFF  }
0xbb: {  	_ =	strace $0x90000048  }
0xbc: {  	_ =	sfence  }
0xbd: {  	s30 =	sld [smem:$0x0];
	_ =	sdelay $0x2  }
0xbe: {  	s31 =	sshll.u32 s1, $0xD;
	s1 =	sshrl.u32 s1, $0x2  }
0xbf: {  	s3 =	sand.u32 $0x4000, s31;
	s1 =	sadd.s32 s1, s30  }
0xc0: {  	s0 =	sor.u32 s3, s0;
	s1 =	sshll.u32 s1, $0x11  }
0xc1: {  	s0 =	sor.u32 s1, s0  }
0xc2: {  	s0 =	sadd.s32 $0x8F2B, s0  }
0xc3: {  	[sflag:s0] =	ssyncadd.remote.s32 $0x1  }
0xc4: {  	_ =	sfence.sel $0xFFFF  }
0xc5: {  	[dreg:$0x0] =	wrdreg $0xFFFFFFFF;
	(pc) =	sbr.abs _section_cstart, $3  }
0xc6: {  	[dreg:$0x1] =	wrdreg $0xFFFFFFFF  }
0xc7: {  	_ =	task.clear_ibuf [dreg:s7], $0x2FFFF;
	_ =	strace $0x9FFFFFFF  }
0xc8: {  	(tm) =	ssettm $0x7FFFFFFF  }
0xc9: {  	_ =	shalt  }
tec
execute0_lowered:
.L_overlay_start_1:
0x0: {  	(tag) =	ssettag $0x1  }
0x1: {  	s1 =	srdreg.scid  }
0x2: {  	s0 =	stileid.u32;
	s4 =	sand.u32 $0x1, s1  }
0x3: {  	s5 =	rddreg [dreg:$0x1];
	s2 =	sshll.u32 s0, $0x6;
	s3 =	sshll.u32 s4, $0x5  }
0x4: {  	s1 =	rddreg [dreg:$0x0];
	s3 =	sor.u32 s3, s2;
	s2 =	simm.s32 $0x0  }
0x5: {  	s8 =	simm.s32 $0x900;
	[smem:$0x7FF] =	sst s2  }
0x6: {  	s9 =	simm.s32 $0xD00;
	_ =	strace $0x80000047;
	[dreg:$0x6] =	wrdreg s8  }
0x7: {  	s10 =	simm.s32 $0x1500;
	[dreg:$0x7] =	wrdreg s9  }
0x8: {  	s11 =	simm.s32 $0x1900;
	[dreg:$0x8] =	wrdreg s10  }
0x9: {  	s12 =	simm.s32 $0x2100;
	[dreg:$0x9] =	wrdreg s11  }
0xa: {  	s13 =	simm.s32 $0x2500;
	[dreg:$0xa] =	wrdreg s12  }
0xb: {  	s14 =	simm.s32 $0x2D00;
	[dreg:$0xb] =	wrdreg s13  }
0xc: {  	s15 =	simm.s32 $0x3100;
	[dreg:$0xc] =	wrdreg s14  }
0xd: {  	s16 =	simm.s32 $0x3900;
	[dreg:$0xd] =	wrdreg s15  }
0xe: {  	s17 =	simm.s32 $0x3D00;
	[dreg:$0xe] =	wrdreg s16  }
0xf: {  	s18 =	simm.s32 $0x4500;
	[dreg:$0xf] =	wrdreg s17  }
0x10: {  	s19 =	simm.s32 $0x4900;
	[dreg:$0x10] =	wrdreg s18  }
0x11: {  	s20 =	simm.s32 $0x5100;
	[dreg:$0x11] =	wrdreg s19  }
0x12: {  	s21 =	simm.s32 $0x5500;
	[dreg:$0x12] =	wrdreg s20  }
0x13: {  	s22 =	simm.s32 $0x5D00;
	[dreg:$0x13] =	wrdreg s21  }
0x14: {  	s23 =	simm.s32 $0x6100;
	[dreg:$0x14] =	wrdreg s22  }
0x15: {  	s24 =	simm.s32 $0x6900;
	[dreg:$0x15] =	wrdreg s23  }
0x16: {  	s25 =	simm.s32 $0x6D00;
	[dreg:$0x16] =	wrdreg s24  }
0x17: {  	s26 =	simm.s32 $0x7500;
	s0 =	simm.s32 $0x7900;
	[dreg:$0x17] =	wrdreg s25  }
0x18: {  	s6 =	sand.u32 $0x1E0, s3;
	s3 =	sadd.s32 s3, s1;
	[dreg:$0x18] =	wrdreg s26  }
0x19: {  	s3 =	sadd.s32 $0x21200, s3;
	[dreg:$0x19] =	wrdreg s0  }
0x1a: {  	s8 =	simm.s32 $0x9100;
	[dreg:$0x3] =	wrdreg s3  }
0x1b: {  	s9 =	simm.s32 $0x9900;
	[dreg:$0x1d] =	wrdreg s8  }
0x1c: {  	s10 =	simm.s32 $0x9D00;
	[dreg:$0x1e] =	wrdreg s9  }
0x1d: {  	s11 =	simm.s32 $0xA500;
	[dreg:$0x1f] =	wrdreg s10  }
0x1e: {  	s12 =	simm.s32 $0xA900;
	[smem:$0x7EF] =	sst s11  }
0x1f: {  	s13 =	simm.s32 $0xB100;
	[smem:$0x7F0] =	sst s12  }
0x20: {  	s14 =	simm.s32 $0xB500;
	[smem:$0x7F1] =	sst s13  }
0x21: {  	s15 =	simm.s32 $0xBD00;
	[smem:$0x7F2] =	sst s14  }
0x22: {  	s28 =	simm.s32 $0x17100;
	s16 =	simm.s32 $0xC900;
	[smem:$0x7F3] =	sst s15  }
0x23: {  	s29 =	simm.s32 $0x17500;
	s17 =	simm.s32 $0xCD00;
	[smem:$0x7F4] =	sst s16  }
0x24: {  	s30 =	simm.s32 $0x17D00;
	s18 =	simm.s32 $0xD500;
	[smem:$0x7F5] =	sst s17  }
0x25: {  	s31 =	simm.s32 $0x1;
	s20 =	simm.s32 $0xD900;
	[smem:$0x7F6] =	sst s18  }
0x26: {  	s4 =	ssub.s32 $0x2, s4;
	s21 =	simm.s32 $0xE100;
	[smem:$0x7F7] =	sst s20  }
0x27: {  	s7 =	smul.u32 $0xC00, s6;
	s22 =	simm.s32 $0xE500;
	[smem:$0x7F8] =	sst s21  }
0x28: {  	s6 =	smul.u32 $0x180, s6;
	s23 =	simm.s32 $0xED00;
	[smem:$0x7F9] =	sst s22  }
0x29: {  	s19 =	sshrl.u32 s4, $0x1;
	s24 =	simm.s32 $0xF100;
	[smem:$0x7FA] =	sst s23  }
0x2a: {  	s25 =	simm.s32 $0xF900;
	s26 =	simm.s32 $0xFD00;
	[smem:$0x7FB] =	sst s24  }
0x2b: {  	s3 =	sadd.s32 $0x21600, s1;
	s8 =	simm.s32 $0xC100;
	[smem:$0x7FC] =	sst s25  }
0x2c: {  	[smem:$0x7FD] =	sst s26;
	s10 =	simm.s32 $0x10900;
	s11 =	simm.s32 $0x11100  }
0x2d: {  	s12 =	simm.s32 $0x11500;
	s13 =	simm.s32 $0x11D00;
	s14 =	simm.s32 $0x12100  }
0x2e: {  	s15 =	simm.s32 $0x12900;
	s16 =	simm.s32 $0x12D00;
	s17 =	simm.s32 $0x13500  }
0x2f: {  	s18 =	simm.s32 $0x13900;
	s20 =	simm.s32 $0x14500;
	s21 =	simm.s32 $0x14D00  }
0x30: {  	s22 =	simm.s32 $0x15100;
	s23 =	simm.s32 $0x15900;
	s24 =	simm.s32 $0x15D00  }
0x31: {  	s25 =	simm.s32 $0x16500;
	s7 =	sshrl.u32 s7, $0x3;
	s6 =	sadd.s32 s5, s6  }
0x32: {  	s26 =	simm.s32 $0x16900;
	s5 =	sadd.s32 s5, s7;
	[dreg:$0x4] =	wrdreg s6  }
0x33: {  	s6 =	simm.s32 $0x8500;
	s7 =	sadd.s32 $0x1800, s5;
	s5 =	simm.s32 $0x8100  }
0x34: {  	[dreg:$0x1b] =	wrdreg s6;
	s6 =	ssub.s32 s4, s19;
	s4 =	sadd.s32 $0x21700, s1  }
0x35: {  	v2 =	vlaneseq.u32;
	s19 =	simm.s32 $0x14100;
	s1 =	simm.s32 $0x2;
	[dreg:$0x5] =	wrdreg s7  }
0x36: {  	vm0 =	vmmov $0xffff;
	vm1 =	vmmov $0xff;
	v1 =	vshrl.u32 v2, $0x3;
	[dreg:$0x1a] =	wrdreg s5;
	s7 =	simm.s32 $0x8D00;
	s5 =	smax.u32 s6, $0x1  }
0x37: {  	v0 =	vand.u32 $0x7, v2;
	v2 =	vor.u32 $0x8, v2;
	v1 =	vmul.u32 $0x8, v1;
	s6 =	simm.s32 $0x3;
	[dreg:$0x1c] =	wrdreg s7;
	s7 =	simm.s32 $0x100  }
.LBB2_1:
0x38: {  	s0 =	rddreg [dreg:$0x3]  }
0x39: {  	[tilespmem:s2], [sflag:$0x3] =	stream.linear.gather [hbm4b:s0+s2], $0x100, $0x38;
	[tilespmem:$0x18100] =	vst v63  }
0x3a: {  	_ =	swait.ge [sflag:s6], $0x100  }
0x3b: {  	[sflag:s6] =	ssyncset.done $0x0  }
0x3c: {  	s9 =	rddreg [dreg:$0x4];
	[sflag:s6] =	ssyncadd.s32 $0xFFFFFF00  }
0x3d: {  	[tilespmem:s7], [sflag:$0x3] =	stream.linear.gather [hbm4b:s9+s2], $0xC000, $0x38;
	[tilespmem:$0x18100] =	vst v63  }
0x3e: {  	_ =	swait.ge [sflag:s6], $0xC000  }
0x3f: {  	[sflag:s6] =	ssyncset.done $0x0  }
0x40: {  	[sflag:s6] =	ssyncadd.s32 $0xFFFF4000  }
0x41: {  	v3 =	vld [tilespmem:$0x0];
	_ =	sdelay $0x4  }
0x42: {  	v4 =	vshrl.u32 v3, $0x3  }
0x43: {  	v4 =	vmul.u32 $0x18, v4  }
0x44: {  	v3 =	vand.u32 $0x7, v3  }
0x45: {  	v3 =	vor.u32 v3, v4  }
0x46: {  	v4 =	vperm.xlane v3, v0;
	_ =	sdelay $0x1  }
0x47: {  	v4 =	vadd.s32 v1, v4;
	_ =	sdelay $0x1  }
0x48: {  	v3 =	vperm.xlane v3, v2;
	_ =	sdelay $0x1  }
0x49: {  	v3 =	vadd.s32 v1, v3  }
0x4a: {  	[hbm4b:s3+s2] =	stream.indirect_vreg.scatter [tilespmem:s7], [sflag:$0x1], $0x80, v4, vm0, $0xb8;
	[tilespmem:$0x18100] =	vst v63  }
0x4b: {  	s0 =	rddreg [dreg:$0x6]  }
0x4c: {  	[hbm4b:s4+s2] =	stream.indirect_vreg.scatter [tilespmem:s0], [sflag:$0x1], $0x80, v4, vm1, $0xb8;
	[tilespmem:$0x18100] =	vst v63  }
0x4d: {  	s9 =	rddreg [dreg:$0x7]  }
0x4e: {  	[hbm4b:s3+s2] =	stream.indirect_vreg.scatter [tilespmem:s9], [sflag:$0x1], $0x80, v3, vm0, $0xb8;
	[tilespmem:$0x18100] =	vst v63  }
0x4f: {  	s0 =	rddreg [dreg:$0x8]  }
0x50: {  	[hbm4b:s4+s2] =	stream.indirect_vreg.scatter [tilespmem:s0], [sflag:$0x1], $0x80, v3, vm1, $0xb8;
	[tilespmem:$0x18100] =	vst v63  }
0x51: {  	v3 =	vld [tilespmem:$0x10];
	_ =	sdelay $0x4  }
0x52: {  	v49 =	vshrl.u32 v3, $0x3  }
0x53: {  	v4 =	vmul.u32 $0x18, v49  }
0x54: {  	v3 =	vand.u32 $0x7, v3  }
0x55: {  	v3 =	vor.u32 v3, v4  }
0x56: {  	v4 =	vperm.xlane v3, v0;
	_ =	sdelay $0x1  }
0x57: {  	v4 =	vadd.s32 v1, v4;
	_ =	sdelay $0x1  }
0x58: {  	v3 =	vperm.xlane v3, v2;
	_ =	sdelay $0x1  }
0x59: {  	s0 =	rddreg [dreg:$0x9];
	v3 =	vadd.s32 v1, v3  }
0x5a: {  	[hbm4b:s3+s2] =	stream.indirect_vreg.scatter [tilespmem:s0], [sflag:$0x1], $0x80, v4, vm0, $0xb8;
	[tilespmem:$0x18100] =	vst v63  }
0x5b: {  	s9 =	rddreg [dreg:$0xa]  }
0x5c: {  	[hbm4b:s4+s2] =	stream.indirect_vreg.scatter [tilespmem:s9], [sflag:$0x1], $0x80, v4, vm1, $0xb8;
	[tilespmem:$0x18100] =	vst v63  }
0x5d: {  	s0 =	rddreg [dreg:$0xb]  }
0x5e: {  	[hbm4b:s3+s2] =	stream.indirect_vreg.scatter [tilespmem:s0], [sflag:$0x1], $0x80, v3, vm0, $0xb8;
	[tilespmem:$0x18100] =	vst v63  }
0x5f: {  	s9 =	rddreg [dreg:$0xc]  }
0x60: {  	[hbm4b:s4+s2] =	stream.indirect_vreg.scatter [tilespmem:s9], [sflag:$0x1], $0x80, v3, vm1, $0xb8;
	[tilespmem:$0x18100] =	vst v63  }
0x61: {  	v3 =	vld [tilespmem:$0x20];
	_ =	sdelay $0x4  }
0x62: {  	v50 =	vshrl.u32 v3, $0x3  }
0x63: {  	v4 =	vmul.u32 $0x18, v50  }
0x64: {  	v3 =	vand.u32 $0x7, v3  }
0x65: {  	v3 =	vor.u32 v3, v4  }
0x66: {  	v4 =	vperm.xlane v3, v0;
	_ =	sdelay $0x1  }
0x67: {  	v4 =	vadd.s32 v1, v4;
	_ =	sdelay $0x1  }
0x68: {  	v3 =	vperm.xlane v3, v2;
	_ =	sdelay $0x1  }
0x69: {  	s0 =	rddreg [dreg:$0xd];
	v3 =	vadd.s32 v1, v3  }
0x6a: {  	[hbm4b:s3+s2] =	stream.indirect_vreg.scatter [tilespmem:s0], [sflag:$0x1], $0x80, v4, vm0, $0xb8;
	[tilespmem:$0x18100] =	vst v63  }
0x6b: {  	s9 =	rddreg [dreg:$0xe]  }
0x6c: {  	[hbm4b:s4+s2] =	stream.indirect_vreg.scatter [tilespmem:s9], [sflag:$0x1], $0x80, v4, vm1, $0xb8;
	[tilespmem:$0x18100] =	vst v63  }
0x6d: {  	s0 =	rddreg [dreg:$0xf]  }
0x6e: {  	[hbm4b:s3+s2] =	stream.indirect_vreg.scatter [tilespmem:s0], [sflag:$0x1], $0x80, v3, vm0, $0xb8;
	[tilespmem:$0x18100] =	vst v63  }
0x6f: {  	s9 =	rddreg [dreg:$0x10]  }
0x70: {  	[hbm4b:s4+s2] =	stream.indirect_vreg.scatter [tilespmem:s9], [sflag:$0x1], $0x80, v3, vm1, $0xb8;
	[tilespmem:$0x18100] =	vst v63  }
0x71: {  	v3 =	vld [tilespmem:$0x30];
	_ =	sdelay $0x4  }
0x72: {  	v51 =	vshrl.u32 v3, $0x3  }
0x73: {  	v4 =	vmul.u32 $0x18, v51  }
0x74: {  	v3 =	vand.u32 $0x7, v3  }
0x75: {  	v3 =	vor.u32 v3, v4  }
0x76: {  	v4 =	vperm.xlane v3, v0;
	_ =	sdelay $0x1  }
0x77: {  	v4 =	vadd.s32 v1, v4;
	_ =	sdelay $0x1  }
0x78: {  	v3 =	vperm.xlane v3, v2;
	_ =	sdelay $0x1  }
0x79: {  	s0 =	rddreg [dreg:$0x11];
	v3 =	vadd.s32 v1, v3  }
0x7a: {  	[hbm4b:s3+s2] =	stream.indirect_vreg.scatter [tilespmem:s0], [sflag:$0x1], $0x80, v4, vm0, $0xb8;
	[tilespmem:$0x18100] =	vst v63  }
0x7b: {  	s9 =	rddreg [dreg:$0x12]  }
0x7c: {  	[hbm4b:s4+s2] =	stream.indirect_vreg.scatter [tilespmem:s9], [sflag:$0x1], $0x80, v4, vm1, $0xb8;
	[tilespmem:$0x18100] =	vst v63  }
0x7d: {  	s0 =	rddreg [dreg:$0x13]  }
0x7e: {  	[hbm4b:s3+s2] =	stream.indirect_vreg.scatter [tilespmem:s0], [sflag:$0x1], $0x80, v3, vm0, $0xb8;
	[tilespmem:$0x18100] =	vst v63  }
0x7f: {  	s9 =	rddreg [dreg:$0x14]  }
0x80: {  	[hbm4b:s4+s2] =	stream.indirect_vreg.scatter [tilespmem:s9], [sflag:$0x1], $0x80, v3, vm1, $0xb8;
	[tilespmem:$0x18100] =	vst v63  }
0x81: {  	v3 =	vld [tilespmem:$0x40];
	_ =	sdelay $0x4  }
0x82: {  	v52 =	vshrl.u32 v3, $0x3  }
0x83: {  	v4 =	vmul.u32 $0x18, v52  }
0x84: {  	v3 =	vand.u32 $0x7, v3  }
0x85: {  	v3 =	vor.u32 v3, v4  }
0x86: {  	v4 =	vperm.xlane v3, v0;
	_ =	sdelay $0x1  }
0x87: {  	v4 =	vadd.s32 v1, v4;
	_ =	sdelay $0x1  }
0x88: {  	v3 =	vperm.xlane v3, v2;
	_ =	sdelay $0x1  }
0x89: {  	s0 =	rddreg [dreg:$0x15];
	v3 =	vadd.s32 v1, v3  }
0x8a: {  	[hbm4b:s3+s2] =	stream.indirect_vreg.scatter [tilespmem:s0], [sflag:$0x1], $0x80, v4, vm0, $0xb8;
	[tilespmem:$0x18100] =	vst v63  }
0x8b: {  	s9 =	rddreg [dreg:$0x16]  }
0x8c: {  	[hbm4b:s4+s2] =	stream.indirect_vreg.scatter [tilespmem:s9], [sflag:$0x1], $0x80, v4, vm1, $0xb8;
	[tilespmem:$0x18100] =	vst v63  }
0x8d: {  	s0 =	rddreg [dreg:$0x17]  }
0x8e: {  	[hbm4b:s3+s2] =	stream.indirect_vreg.scatter [tilespmem:s0], [sflag:$0x1], $0x80, v3, vm0, $0xb8;
	[tilespmem:$0x18100] =	vst v63  }
0x8f: {  	s9 =	rddreg [dreg:$0x18]  }
0x90: {  	[hbm4b:s4+s2] =	stream.indirect_vreg.scatter [tilespmem:s9], [sflag:$0x1], $0x80, v3, vm1, $0xb8;
	[tilespmem:$0x18100] =	vst v63  }
0x91: {  	v3 =	vld [tilespmem:$0x50];
	_ =	sdelay $0x4  }
0x92: {  	v53 =	vshrl.u32 v3, $0x3  }
0x93: {  	v4 =	vmul.u32 $0x18, v53  }
0x94: {  	v3 =	vand.u32 $0x7, v3  }
0x95: {  	v3 =	vor.u32 v3, v4  }
0x96: {  	v4 =	vperm.xlane v3, v0;
	_ =	sdelay $0x1  }
0x97: {  	v4 =	vadd.s32 v1, v4;
	_ =	sdelay $0x1  }
0x98: {  	v3 =	vperm.xlane v3, v2;
	_ =	sdelay $0x1  }
0x99: {  	s0 =	rddreg [dreg:$0x19];
	v3 =	vadd.s32 v1, v3  }
0x9a: {  	[hbm4b:s3+s2] =	stream.indirect_vreg.scatter [tilespmem:s0], [sflag:$0x1], $0x80, v4, vm0, $0xb8;
	[tilespmem:$0x18100] =	vst v63  }
0x9b: {  	s9 =	rddreg [dreg:$0x1a]  }
0x9c: {  	[hbm4b:s4+s2] =	stream.indirect_vreg.scatter [tilespmem:s9], [sflag:$0x1], $0x80, v4, vm1, $0xb8;
	[tilespmem:$0x18100] =	vst v63  }
0x9d: {  	s0 =	rddreg [dreg:$0x1b]  }
0x9e: {  	[hbm4b:s3+s2] =	stream.indirect_vreg.scatter [tilespmem:s0], [sflag:$0x1], $0x80, v3, vm0, $0xb8;
	[tilespmem:$0x18100] =	vst v63  }
0x9f: {  	s9 =	rddreg [dreg:$0x1c]  }
0xa0: {  	[hbm4b:s4+s2] =	stream.indirect_vreg.scatter [tilespmem:s9], [sflag:$0x1], $0x80, v3, vm1, $0xb8;
	[tilespmem:$0x18100] =	vst v63  }
0xa1: {  	v3 =	vld [tilespmem:$0x60];
	_ =	sdelay $0x4  }
0xa2: {  	v54 =	vshrl.u32 v3, $0x3  }
0xa3: {  	v4 =	vmul.u32 $0x18, v54  }
0xa4: {  	v3 =	vand.u32 $0x7, v3  }
0xa5: {  	v3 =	vor.u32 v3, v4  }
0xa6: {  	v4 =	vperm.xlane v3, v0;
	_ =	sdelay $0x1  }
0xa7: {  	v4 =	vadd.s32 v1, v4;
	_ =	sdelay $0x1  }
0xa8: {  	v3 =	vperm.xlane v3, v2  }
0xa9: {  	s0 =	rddreg [dreg:$0x1d]  }
0xaa: {  	s9 =	rddreg [dreg:$0x1e];
	v3 =	vadd.s32 v1, v3  }
0xab: {  	[hbm4b:s3+s2] =	stream.indirect_vreg.scatter [tilespmem:s0], [sflag:$0x1], $0x80, v4, vm0, $0xb8;
	[tilespmem:$0x18100] =	vst v63  }
0xac: {  	s0 =	rddreg [dreg:$0x1f]  }
0xad: {  	[hbm4b:s4+s2] =	stream.indirect_vreg.scatter [tilespmem:s9], [sflag:$0x1], $0x80, v4, vm1, $0xb8;
	[tilespmem:$0x18100] =	vst v63  }
0xae: {  	s9 =	sld [smem:$0x7EF]  }
0xaf: {  	[hbm4b:s3+s2] =	stream.indirect_vreg.scatter [tilespmem:s0], [sflag:$0x1], $0x80, v3, vm0, $0xb8;
	[tilespmem:$0x18100] =	vst v63  }
0xb0: {  	_ = 	snop  }
0xb1: {  	[hbm4b:s4+s2] =	stream.indirect_vreg.scatter [tilespmem:s9], [sflag:$0x1], $0x80, v3, vm1, $0xb8;
	[tilespmem:$0x18100] =	vst v63  }
0xb2: {  	v3 =	vld [tilespmem:$0x70];
	_ =	sdelay $0x4  }
0xb3: {  	v55 =	vshrl.u32 v3, $0x3  }
0xb4: {  	v4 =	vmul.u32 $0x18, v55  }
0xb5: {  	v3 =	vand.u32 $0x7, v3  }
0xb6: {  	v3 =	vor.u32 v3, v4  }
0xb7: {  	v4 =	vperm.xlane v3, v0;
	_ =	sdelay $0x1  }
0xb8: {  	v4 =	vadd.s32 v1, v4;
	_ =	sdelay $0x1  }
0xb9: {  	s0 =	sld [smem:$0x7F0];
	v3 =	vperm.xlane v3, v2;
	_ =	sdelay $0x1  }
0xba: {  	s9 =	sld [smem:$0x7F1];
	v3 =	vadd.s32 v1, v3  }
0xbb: {  	[hbm4b:s3+s2] =	stream.indirect_vreg.scatter [tilespmem:s0], [sflag:$0x1], $0x80, v4, vm0, $0xb8;
	[tilespmem:$0x18100] =	vst v63  }
0xbc: {  	s0 =	sld [smem:$0x7F2]  }
0xbd: {  	[hbm4b:s4+s2] =	stream.indirect_vreg.scatter [tilespmem:s9], [sflag:$0x1], $0x80, v4, vm1, $0xb8;
	[tilespmem:$0x18100] =	vst v63  }
0xbe: {  	s9 =	sld [smem:$0x7F3]  }
0xbf: {  	[hbm4b:s3+s2] =	stream.indirect_vreg.scatter [tilespmem:s0], [sflag:$0x1], $0x80, v3, vm0, $0xb8;
	[tilespmem:$0x18100] =	vst v63  }
0xc0: {  	_ = 	snop  }
0xc1: {  	[hbm4b:s4+s2] =	stream.indirect_vreg.scatter [tilespmem:s9], [sflag:$0x1], $0x80, v3, vm1, $0xb8;
	[tilespmem:$0x18100] =	vst v63  }
0xc2: {  	s0 =	rddreg [dreg:$0x5]  }
0xc3: {  	[tilespmem:s8], [sflag:$0x3] =	stream.linear.gather [hbm4b:s0+s2], $0xC000, $0x38;
	[tilespmem:$0x18100] =	vst v63  }
0xc4: {  	_ =	swait.ge [sflag:s6], $0xC000  }
0xc5: {  	[sflag:s6] =	ssyncset.done $0x0  }
0xc6: {  	[sflag:s6] =	ssyncadd.s32 $0xFFFF4000  }
0xc7: {  	v3 =	vld [tilespmem:$0x80];
	_ =	sdelay $0x4  }
0xc8: {  	v56 =	vshrl.u32 v3, $0x3  }
0xc9: {  	v4 =	vmul.u32 $0x18, v56  }
0xca: {  	v3 =	vand.u32 $0x7, v3  }
0xcb: {  	v3 =	vor.u32 v3, v4  }
0xcc: {  	v4 =	vperm.xlane v3, v0;
	_ =	sdelay $0x1  }
0xcd: {  	v4 =	vadd.s32 v1, v4;
	_ =	sdelay $0x1  }
0xce: {  	v3 =	vperm.xlane v3, v2;
	_ =	sdelay $0x1  }
0xcf: {  	s0 =	sld [smem:$0x7F4];
	v3 =	vadd.s32 v1, v3  }
0xd0: {  	[hbm4b:s3+s2] =	stream.indirect_vreg.scatter [tilespmem:s8], [sflag:$0x2], $0x80, v4, vm0, $0xb8;
	[tilespmem:$0x18100] =	vst v63  }
0xd1: {  	s9 =	sld [smem:$0x7F5]  }
0xd2: {  	[hbm4b:s4+s2] =	stream.indirect_vreg.scatter [tilespmem:s0], [sflag:$0x2], $0x80, v4, vm1, $0xb8;
	[tilespmem:$0x18100] =	vst v63  }
0xd3: {  	s0 =	sld [smem:$0x7F6]  }
0xd4: {  	[hbm4b:s3+s2] =	stream.indirect_vreg.scatter [tilespmem:s9], [sflag:$0x2], $0x80, v3, vm0, $0xb8;
	[tilespmem:$0x18100] =	vst v63  }
0xd5: {  	_ = 	snop  }
0xd6: {  	[hbm4b:s4+s2] =	stream.indirect_vreg.scatter [tilespmem:s0], [sflag:$0x2], $0x80, v3, vm1, $0xb8;
	[tilespmem:$0x18100] =	vst v63  }
0xd7: {  	v3 =	vld [tilespmem:$0x90];
	_ =	sdelay $0x4  }
0xd8: {  	v57 =	vshrl.u32 v3, $0x3  }
0xd9: {  	v4 =	vmul.u32 $0x18, v57  }
0xda: {  	v3 =	vand.u32 $0x7, v3  }
0xdb: {  	v3 =	vor.u32 v3, v4  }
0xdc: {  	v4 =	vperm.xlane v3, v0;
	_ =	sdelay $0x1  }
0xdd: {  	v4 =	vadd.s32 v1, v4;
	_ =	sdelay $0x1  }
0xde: {  	s0 =	sld [smem:$0x7F7];
	v3 =	vperm.xlane v3, v2;
	_ =	sdelay $0x1  }
0xdf: {  	s9 =	sld [smem:$0x7F8];
	v3 =	vadd.s32 v1, v3  }
0xe0: {  	[hbm4b:s3+s2] =	stream.indirect_vreg.scatter [tilespmem:s0], [sflag:$0x2], $0x80, v4, vm0, $0xb8;
	[tilespmem:$0x18100] =	vst v63  }
0xe1: {  	s0 =	sld [smem:$0x7F9]  }
0xe2: {  	[hbm4b:s4+s2] =	stream.indirect_vreg.scatter [tilespmem:s9], [sflag:$0x2], $0x80, v4, vm1, $0xb8;
	[tilespmem:$0x18100] =	vst v63  }
0xe3: {  	s9 =	sld [smem:$0x7FA]  }
0xe4: {  	[hbm4b:s3+s2] =	stream.indirect_vreg.scatter [tilespmem:s0], [sflag:$0x2], $0x80, v3, vm0, $0xb8;
	[tilespmem:$0x18100] =	vst v63  }
0xe5: {  	_ = 	snop  }
0xe6: {  	[hbm4b:s4+s2] =	stream.indirect_vreg.scatter [tilespmem:s9], [sflag:$0x2], $0x80, v3, vm1, $0xb8;
	[tilespmem:$0x18100] =	vst v63  }
0xe7: {  	v3 =	vld [tilespmem:$0xA0];
	_ =	sdelay $0x4  }
0xe8: {  	v58 =	vshrl.u32 v3, $0x3  }
0xe9: {  	v4 =	vmul.u32 $0x18, v58  }
0xea: {  	v3 =	vand.u32 $0x7, v3  }
0xeb: {  	v3 =	vor.u32 v3, v4  }
0xec: {  	v4 =	vperm.xlane v3, v0;
	_ =	sdelay $0x1  }
0xed: {  	v4 =	vadd.s32 v1, v4;
	_ =	sdelay $0x1  }
0xee: {  	s0 =	sld [smem:$0x7FB];
	v3 =	vperm.xlane v3, v2;
	_ =	sdelay $0x1  }
0xef: {  	s9 =	sld [smem:$0x7FC];
	v3 =	vadd.s32 v1, v3  }
0xf0: {  	[hbm4b:s3+s2] =	stream.indirect_vreg.scatter [tilespmem:s0], [sflag:$0x2], $0x80, v4, vm0, $0xb8;
	[tilespmem:$0x18100] =	vst v63  }
0xf1: {  	s0 =	sld [smem:$0x7FD]  }
0xf2: {  	[hbm4b:s4+s2] =	stream.indirect_vreg.scatter [tilespmem:s9], [sflag:$0x2], $0x80, v4, vm1, $0xb8;
	[tilespmem:$0x18100] =	vst v63  }
0xf3: {  	_ = 	snop  }
0xf4: {  	[hbm4b:s3+s2] =	stream.indirect_vreg.scatter [tilespmem:s0], [sflag:$0x2], $0x80, v3, vm0, $0xb8;
	[tilespmem:$0x18100] =	vst v63  }
0xf5: {  	s9 =	simm.s32 $0x10500  }
0xf6: {  	[hbm4b:s4+s2] =	stream.indirect_vreg.scatter [tilespmem:s9], [sflag:$0x2], $0x80, v3, vm1, $0xb8;
	[tilespmem:$0x18100] =	vst v63  }
0xf7: {  	v3 =	vld [tilespmem:$0xB0];
	_ =	sdelay $0x4  }
0xf8: {  	v59 =	vshrl.u32 v3, $0x3  }
0xf9: {  	v4 =	vmul.u32 $0x18, v59  }
0xfa: {  	v3 =	vand.u32 $0x7, v3  }
0xfb: {  	v3 =	vor.u32 v3, v4  }
0xfc: {  	v4 =	vperm.xlane v3, v0;
	_ =	sdelay $0x1  }
0xfd: {  	v4 =	vadd.s32 v1, v4;
	_ =	sdelay $0x1  }
0xfe: {  	v3 =	vperm.xlane v3, v2;
	_ =	sdelay $0x1  }
0xff: {  	v3 =	vadd.s32 v1, v3  }
0x100: {  	[hbm4b:s3+s2] =	stream.indirect_vreg.scatter [tilespmem:s10], [sflag:$0x2], $0x80, v4, vm0, $0xb8;
	[tilespmem:$0x18100] =	vst v63  }
0x101: {  	_ = 	snop  }
0x102: {  	[hbm4b:s4+s2] =	stream.indirect_vreg.scatter [tilespmem:s11], [sflag:$0x2], $0x80, v4, vm1, $0xb8;
	[tilespmem:$0x18100] =	vst v63  }
0x103: {  	_ = 	snop  }
0x104: {  	[hbm4b:s3+s2] =	stream.indirect_vreg.scatter [tilespmem:s12], [sflag:$0x2], $0x80, v3, vm0, $0xb8;
	[tilespmem:$0x18100] =	vst v63  }
0x105: {  	_ = 	snop  }
0x106: {  	[hbm4b:s4+s2] =	stream.indirect_vreg.scatter [tilespmem:s13], [sflag:$0x2], $0x80, v3, vm1, $0xb8;
	[tilespmem:$0x18100] =	vst v63  }
0x107: {  	v3 =	vld [tilespmem:$0xC0];
	_ =	sdelay $0x4  }
0x108: {  	v60 =	vshrl.u32 v3, $0x3  }
0x109: {  	v4 =	vmul.u32 $0x18, v60  }
0x10a: {  	v3 =	vand.u32 $0x7, v3  }
0x10b: {  	v3 =	vor.u32 v3, v4  }
0x10c: {  	v4 =	vperm.xlane v3, v0;
	_ =	sdelay $0x1  }
0x10d: {  	v4 =	vadd.s32 v1, v4;
	_ =	sdelay $0x1  }
0x10e: {  	v3 =	vperm.xlane v3, v2;
	_ =	sdelay $0x1  }
0x10f: {  	v3 =	vadd.s32 v1, v3  }
0x110: {  	[hbm4b:s3+s2] =	stream.indirect_vreg.scatter [tilespmem:s14], [sflag:$0x2], $0x80, v4, vm0, $0xb8;
	[tilespmem:$0x18100] =	vst v63  }
0x111: {  	_ = 	snop  }
0x112: {  	[hbm4b:s4+s2] =	stream.indirect_vreg.scatter [tilespmem:s15], [sflag:$0x2], $0x80, v4, vm1, $0xb8;
	[tilespmem:$0x18100] =	vst v63  }
0x113: {  	_ = 	snop  }
0x114: {  	[hbm4b:s3+s2] =	stream.indirect_vreg.scatter [tilespmem:s16], [sflag:$0x2], $0x80, v3, vm0, $0xb8;
	[tilespmem:$0x18100] =	vst v63  }
0x115: {  	_ = 	snop  }
0x116: {  	[hbm4b:s4+s2] =	stream.indirect_vreg.scatter [tilespmem:s17], [sflag:$0x2], $0x80, v3, vm1, $0xb8;
	[tilespmem:$0x18100] =	vst v63  }
0x117: {  	v3 =	vld [tilespmem:$0xD0];
	_ =	sdelay $0x4  }
0x118: {  	v61 =	vshrl.u32 v3, $0x3  }
0x119: {  	v4 =	vmul.u32 $0x18, v61  }
0x11a: {  	v3 =	vand.u32 $0x7, v3  }
0x11b: {  	v3 =	vor.u32 v3, v4  }
0x11c: {  	v4 =	vperm.xlane v3, v0;
	_ =	sdelay $0x1  }
0x11d: {  	v4 =	vadd.s32 v1, v4;
	_ =	sdelay $0x1  }
0x11e: {  	v3 =	vperm.xlane v3, v2;
	_ =	sdelay $0x1  }
0x11f: {  	v3 =	vadd.s32 v1, v3  }
0x120: {  	[hbm4b:s3+s2] =	stream.indirect_vreg.scatter [tilespmem:s18], [sflag:$0x2], $0x80, v4, vm0, $0xb8;
	[tilespmem:$0x18100] =	vst v63  }
0x121: {  	_ = 	snop  }
0x122: {  	[hbm4b:s4+s2] =	stream.indirect_vreg.scatter [tilespmem:s19], [sflag:$0x2], $0x80, v4, vm1, $0xb8;
	[tilespmem:$0x18100] =	vst v63  }
0x123: {  	_ = 	snop  }
0x124: {  	[hbm4b:s3+s2] =	stream.indirect_vreg.scatter [tilespmem:s20], [sflag:$0x2], $0x80, v3, vm0, $0xb8;
	[tilespmem:$0x18100] =	vst v63  }
0x125: {  	_ = 	snop  }
0x126: {  	[hbm4b:s4+s2] =	stream.indirect_vreg.scatter [tilespmem:s21], [sflag:$0x2], $0x80, v3, vm1, $0xb8;
	[tilespmem:$0x18100] =	vst v63  }
0x127: {  	v3 =	vld [tilespmem:$0xE0];
	_ =	sdelay $0x4  }
0x128: {  	v62 =	vshrl.u32 v3, $0x3  }
0x129: {  	v4 =	vmul.u32 $0x18, v62  }
0x12a: {  	v3 =	vand.u32 $0x7, v3  }
0x12b: {  	v3 =	vor.u32 v3, v4  }
0x12c: {  	v4 =	vperm.xlane v3, v0;
	_ =	sdelay $0x1  }
0x12d: {  	v4 =	vadd.s32 v1, v4;
	_ =	sdelay $0x1  }
0x12e: {  	v3 =	vperm.xlane v3, v2;
	_ =	sdelay $0x1  }
0x12f: {  	v3 =	vadd.s32 v1, v3  }
0x130: {  	[hbm4b:s3+s2] =	stream.indirect_vreg.scatter [tilespmem:s22], [sflag:$0x2], $0x80, v4, vm0, $0xb8;
	[tilespmem:$0x18100] =	vst v63  }
0x131: {  	_ = 	snop  }
0x132: {  	[hbm4b:s4+s2] =	stream.indirect_vreg.scatter [tilespmem:s23], [sflag:$0x2], $0x80, v4, vm1, $0xb8;
	[tilespmem:$0x18100] =	vst v63  }
0x133: {  	_ = 	snop  }
0x134: {  	[hbm4b:s3+s2] =	stream.indirect_vreg.scatter [tilespmem:s24], [sflag:$0x2], $0x80, v3, vm0, $0xb8;
	[tilespmem:$0x18100] =	vst v63  }
0x135: {  	_ = 	snop  }
0x136: {  	[hbm4b:s4+s2] =	stream.indirect_vreg.scatter [tilespmem:s25], [sflag:$0x2], $0x80, v3, vm1, $0xb8;
	[tilespmem:$0x18100] =	vst v63  }
0x137: {  	v3 =	vld [tilespmem:$0xF0];
	_ =	sdelay $0x4  }
0x138: {  	v63 =	vshrl.u32 v3, $0x3  }
0x139: {  	v4 =	vmul.u32 $0x18, v63  }
0x13a: {  	v3 =	vand.u32 $0x7, v3  }
0x13b: {  	v3 =	vor.u32 v3, v4  }
0x13c: {  	v4 =	vperm.xlane v3, v0;
	_ =	sdelay $0x1  }
0x13d: {  	v4 =	vadd.s32 v1, v4;
	_ =	sdelay $0x1  }
0x13e: {  	v3 =	vperm.xlane v3, v2;
	_ =	sdelay $0x1  }
0x13f: {  	v3 =	vadd.s32 v1, v3  }
0x140: {  	[hbm4b:s3+s2] =	stream.indirect_vreg.scatter [tilespmem:s26], [sflag:$0x2], $0x80, v4, vm0, $0xb8;
	[tilespmem:$0x18100] =	vst v63  }
0x141: {  	_ = 	snop  }
0x142: {  	[hbm4b:s4+s2] =	stream.indirect_vreg.scatter [tilespmem:s28], [sflag:$0x2], $0x80, v4, vm1, $0xb8;
	[tilespmem:$0x18100] =	vst v63  }
0x143: {  	_ = 	snop  }
0x144: {  	[hbm4b:s3+s2] =	stream.indirect_vreg.scatter [tilespmem:s29], [sflag:$0x2], $0x80, v3, vm0, $0xb8;
	[tilespmem:$0x18100] =	vst v63  }
0x145: {  	_ = 	snop  }
0x146: {  	[hbm4b:s4+s2] =	stream.indirect_vreg.scatter [tilespmem:s30], [sflag:$0x2], $0x80, v3, vm1, $0xb8;
	[tilespmem:$0x18100] =	vst v63  }
0x147: {  	p0 =	sne.s32 s5, $0x1;
	_ =	swait.ge [sflag:s31], $0xC000  }
.Ltmp0:
0x148: {  	[sflag:s31] =	ssyncset.done $0x0;
	(pc) =	sbr.rel @p0 .LBB2_1-.Ltmp0, $4  }
0x149: {  	[sflag:s31] =	ssyncadd.s32 $0xFFFF4000  }
0x14a: {  	_ =	swait.ge [sflag:s1], $0xC000  }
0x14b: {  	[sflag:s1] =	ssyncset.done $0x0  }
0x14c: {  	s5 =	sadd.s32 $0xFFFFFFFF, s5;
	[sflag:s1] =	ssyncadd.s32 $0xFFFF4000  }
0x14d: {  	_ =	sfence.sel $0x180000  }
0x14e: {  	[bflag:$0x0] =	sbarrier.arrive $0xFFFF  }
0x14f: {  	_ =	strace $0x90000047  }
0x150: {  	s0 =	stileid.u32;
	[bflag:$0x2] =	sbarrier.arrive $0xFFFF  }
0x151: {  	p0 =	sne.s32 s0, $0x0;
	s0 =	rddreg [dreg:$0x2]  }
0x152: {  	s0 =	sadd.s32 @!p0 $0x100000, s0  }
0x153: {  	[sflag:s0] =	ssyncadd.tile.s32 @!p0 $0x1;
	_ =	shalt  }
.Lfunc_end2:
_tile_overlayer_lowered:
.L_overlay_start_2:
0x154: {  	(tag) =	ssettag $0x2  }
0x155: {  	s0 =	rddreg [dreg:$0x0];
	s2 =	stileid.u32  }
0x156: {  	s1 =	rddreg [dreg:$0x1];
	p0 =	sne.s32 s2, $0x0  }
0x157: {  	s3 =	rddreg [dreg:$0x2];
	[bflag:$0x3] =	sbarrier.arrive $0xFFFF;
	s2 =	simm.s32 @!p0 $0x1C03  }
0x158: {  	[timem:s3], [sflag:s2] =	dma.local @!p0 [hbm:s0], s1  }
0x159: {  	s0 =	simm.s32 @!p0 $0x3  }
0x15a: {  	_ =	swait.ge @!p0 [sflag:s0], s1  }
0x15b: {  	s1 =	ssub.s32 @!p0 $0x0, s1;
	[sflag:s0] =	ssyncset.done @!p0 $0x0  }
0x15c: {  	[sflag:s0] =	ssyncadd.s32 @!p0 s1  }
0x15d: {  	[bflag:$0x3] =	sbarrier.arrive $0xFFFF  }
0x15e: {  	_ =	shalt  }

</sc_bundles>
